<compile_context>
chip_gen: v7x
topology: tpu7x:2x2x1
jax: 0.10.2.dev20260603
libtpu: 0.0.44.dev20260713+nightly
codegen_flags: <defaults>
</compile_context>

<pallas_src>
import functools

import jax
import jax.numpy as jnp
from jax import lax
from jax.experimental import pallas as pl
from jax.experimental.pallas import tpu as pltpu
from jax.experimental.pallas import tpu_sc as plsc

_NSHIFT = 2
_L = 16
_NC = 2
_NS = 16
_NW = _NC * _NS
_BLK = 8


def _phase_shuffle_sc(x, shifts_i32):
    B, C, T = x.shape
    rows_per_w = (B * C) // _NW
    nvec = T // _L
    nblk = (nvec - 8) // _BLK

    mesh = plsc.VectorSubcoreMesh(core_axis_name="c", subcore_axis_name="s")

    @functools.partial(
        pl.kernel,
        out_type=jax.ShapeDtypeStruct((B, C, T), jnp.float32),
        mesh=mesh,
        compiler_params=pltpu.CompilerParams(needs_layout_passes=False),
        scratch_types=[pltpu.VMEM((T,), jnp.float32)] * 4
        + [pltpu.VMEM((B,), jnp.int32)]
        + [pltpu.SemaphoreType.DMA] * 4,
    )
    def body(x_hbm, sh_hbm, out_hbm, *scratch):
        in_b = scratch[0:2]
        out_b = scratch[2:4]
        sh_v = scratch[4]
        in_sems = scratch[5:7]
        out_sems = scratch[7:9]
        wid = lax.axis_index("s") * _NC + lax.axis_index("c")
        pltpu.sync_copy(sh_hbm, sh_v)
        row0 = wid * rows_per_w
        iota = lax.iota(jnp.int32, _L)

        def in_copy(r, j):
            return pltpu.make_async_copy(
                x_hbm.at[r // C, r % C], in_b[j], in_sems[j])

        def out_copy(r, j):
            return pltpu.make_async_copy(
                out_b[j], out_hbm.at[r // C, r % C], out_sems[j])

        in_copy(row0, 0).start()
        in_copy(row0 + 1, 1).start()

        def do_row(r, loc, j):
            src = in_b[j]
            dst = out_b[j]
            in_copy(r, j).wait()

            @pl.when(loc >= 2)
            def _():
                out_copy(r - 2, j).wait()

            kv = plsc.load_gather(sh_v, [jnp.full((_L,), r // C, jnp.int32)])
            base = iota - (kv - _NSHIFT)
            idx0 = jnp.where(base < 0, -base, base)
            hvals = [plsc.load_gather(src, [idx0])] + [
                plsc.load_gather(src, [base + v * _L]) for v in (1, 2, 3)]
            for v in range(4):
                dst[pl.ds(v * _L, _L)] = hvals[v]

            def _mid(blk, carry):
                t0 = 4 * _L + blk * (_BLK * _L)
                idxb = base + t0
                vals = [plsc.load_gather(src, [idxb + v * _L])
                        for v in range(_BLK)]
                for v in range(_BLK):
                    dst[pl.ds(t0 + v * _L, _L)] = vals[v]
                return carry

            lax.fori_loop(0, nblk, _mid, 0)

            idxl = base + (nvec - 1) * _L
            idxl = jnp.where(idxl > T - 1, 2 * (T - 1) - idxl, idxl)
            tvals = [plsc.load_gather(src, [base + (nvec - 4 + v) * _L])
                     for v in (0, 1, 2)] + [plsc.load_gather(src, [idxl])]
            for v in range(4):
                dst[pl.ds((nvec - 4 + v) * _L, _L)] = tvals[v]

            out_copy(r, j).start()

            @pl.when(loc + 2 < rows_per_w)
            def _():
                in_copy(r + 2, j).start()

        def group(g, carry):
            for j in range(2):
                loc = g * 2 + j
                do_row(row0 + loc, loc, j)
            return carry

        lax.fori_loop(0, rows_per_w // 2, group, 0)
        out_copy(row0 + rows_per_w - 2, 0).wait()
        out_copy(row0 + rows_per_w - 1, 1).wait()

    return body(x, shifts_i32)


def kernel(x, shifts):
    return _phase_shuffle_sc(x, shifts.astype(jnp.int32))

# --- scband reference (transcript-rebuilt; emitter-appended) ---
"""Pipeline reference for scband-phase-shuffle-28363964023549 (READ-ONLY COPY).

The authoritative reference and input builder live on the scoring server;
editing this copy changes nothing except your own understanding.
"""

import jax, jax.numpy as jnp
import numpy as np

N_SHIFT = 2

def setup_inputs(seed: int = 0) -> dict:
    key = jax.random.key(seed)
    k1, k2 = jax.random.split(key)
    x = jax.random.normal(k1, (64, 64, 16384), dtype=jnp.float32)
    # raw draws in [0, 2n+1); reference subtracts n to get shifts in [-n, n]
    shifts = jax.random.randint(k2, (64,), 0, 2 * N_SHIFT + 1, dtype=jnp.int32).astype(jnp.int64)
    return {"x": x, "shifts": shifts}

def reference(x, shifts):
    # PhaseShuffle: per-batch-element circular-free phase shift k in [-n, n]
    # with reflect padding, implemented as a single gather with reflected indices.
    B, C, T = x.shape
    k = shifts.astype(jnp.int32) - N_SHIFT  # [-n, n]
    t = jnp.arange(T, dtype=jnp.int32)
    idx = t[None, :] - k[:, None]  # source index before reflection, [B, T]
    # reflect (PyTorch 'reflect' semantics, no edge repeat); |k| <= n < T so one pass suffices
    idx = jnp.where(idx < 0, -idx, idx)
    idx = jnp.where(idx > T - 1, 2 * (T - 1) - idx, idx)
    idx = jnp.broadcast_to(idx[:, None, :], (B, C, T))
    return jnp.take_along_axis(x, idx, axis=2)

if __name__ == "__main__":
    import jax
    _d = setup_inputs()
    print(jax.jit(kernel)(*tuple(_d.values())))

</pallas_src>

<mosaic_0001>
#map = affine_map<(d0, d1) -> (0, 0, 0)>
#map1 = affine_map<(d0, d1) -> (0)>
module attributes {stable_mosaic.version = 14 : i64} {
  func.func @body(%arg0: i32, %arg1: i32, %arg2: memref<64x64x16384xf32, #tpu.memory_space<hbm>>, %arg3: memref<64xi32, #tpu.memory_space<hbm>>, %arg4: memref<64x64x16384xf32, #tpu.memory_space<hbm>>, %arg5: memref<16384xf32, #tpu.memory_space<vmem>>, %arg6: memref<16384xf32, #tpu.memory_space<vmem>>, %arg7: memref<16384xf32, #tpu.memory_space<vmem>>, %arg8: memref<16384xf32, #tpu.memory_space<vmem>>, %arg9: memref<64xi32, #tpu.memory_space<vmem>>, %arg10: memref<!tpu.dma_semaphore, #tpu.memory_space<semaphore_mem>>, %arg11: memref<!tpu.dma_semaphore, #tpu.memory_space<semaphore_mem>>, %arg12: memref<!tpu.dma_semaphore, #tpu.memory_space<semaphore_mem>>, %arg13: memref<!tpu.dma_semaphore, #tpu.memory_space<semaphore_mem>>) attributes {dimension_semantics = [#tpu.dimension_semantics<core_parallel>, #tpu.dimension_semantics<subcore_parallel>], iteration_bounds = array<i64: 2, 16>, scalar_prefetch = 0 : i64, scratch_operands = 9 : i64, tpu.core_type = #tpu.core_type<sc_vector_subcore>, window_params = [{transform_indices = #map}, {transform_indices = #map1}, {transform_indices = #map}]} {
    %mul3A = arith.constant 2 : i32
    %mul3A_0 = arith.muli %arg1, %mul3A : i32
    %add3A = arith.addi %mul3A_0, %arg0 : i32
    "tpu.region"() ({
      %run_scoped3A = tpu.sem_alloc : memref<!tpu.dma_semaphore, #tpu.memory_space<semaphore_mem>>
      tpu.enqueue_dma source(%arg3 : memref<64xi32, #tpu.memory_space<hbm>>) target(%arg9 : memref<64xi32, #tpu.memory_space<vmem>>) target_semaphore(%run_scoped3A : memref<!tpu.dma_semaphore, #tpu.memory_space<semaphore_mem>>)
      tpu.wait_dma2 semaphore(%run_scoped3A : memref<!tpu.dma_semaphore, #tpu.memory_space<semaphore_mem>>) src(%arg3 : memref<64xi32, #tpu.memory_space<hbm>>) dst(%arg9 : memref<64xi32, #tpu.memory_space<vmem>>)
      tpu.yield
    }) : () -> ()
    %mul3A_1 = arith.constant 128 : i32
    %mul3A_2 = arith.muli %add3A, %mul3A_1 : i32
    %iota3A = tpu.iota {dimensions = array<i32: 0>} : vector<16xi32>
    %jit3A = arith.constant 64 : i32
    %div3A = arith.divsi %mul3A_2, %jit3A : i32
    %sign3A = arith.constant 0 : i32
    %sign3A_3 = arith.cmpi sgt, %mul3A_2, %sign3A : i32
    %sign3A_4 = arith.extui %sign3A_3 : i1 to i32
    %sign3A_5 = arith.constant 0 : i32
    %sign3A_6 = arith.cmpi slt, %mul3A_2, %sign3A_5 : i32
    %sign3A_7 = arith.extui %sign3A_6 : i1 to i32
    %sign3A_8 = arith.subi %sign3A_4, %sign3A_7 : i32
    %sign3A_9 = arith.constant 0 : i32
    %sign3A_10 = arith.cmpi sgt, %jit3A, %sign3A_9 : i32
    %sign3A_11 = arith.extui %sign3A_10 : i1 to i32
    %sign3A_12 = arith.constant 0 : i32
    %sign3A_13 = arith.cmpi slt, %jit3A, %sign3A_12 : i32
    %sign3A_14 = arith.extui %sign3A_13 : i1 to i32
    %sign3A_15 = arith.subi %sign3A_11, %sign3A_14 : i32
    %ne3A = arith.cmpi ne, %sign3A_8, %sign3A_15 : i32
    %rem3A = arith.remsi %mul3A_2, %jit3A : i32
    %ne3A_16 = arith.constant 0 : i32
    %ne3A_17 = arith.cmpi ne, %rem3A, %ne3A_16 : i32
    %and3A = arith.andi %ne3A, %ne3A_17 : i1
    %sub3A = arith.constant 1 : i32
    %sub3A_18 = arith.subi %div3A, %sub3A : i32
    %select_n3A = arith.select %and3A, %sub3A_18, %div3A : i32
    %jit3A_19 = arith.constant 64 : i32
    %eq3A = arith.constant 0 : i32
    %eq3A_20 = arith.cmpi eq, %jit3A_19, %eq3A : i32
    %jit3A_21 = arith.constant 1 : i32
    %select_n3A_22 = arith.select %eq3A_20, %jit3A_21, %jit3A_19 : i32
    %rem3A_23 = arith.remsi %mul3A_2, %select_n3A_22 : i32
    %ne3A_24 = arith.constant 0 : i32
    %ne3A_25 = arith.cmpi ne, %rem3A_23, %ne3A_24 : i32
    %lt3A = arith.constant 0 : i32
    %lt3A_26 = arith.cmpi slt, %rem3A_23, %lt3A : i32
    %lt3A_27 = arith.constant 0 : i32
    %lt3A_28 = arith.cmpi slt, %select_n3A_22, %lt3A_27 : i32
    %ne3A_29 = arith.xori %lt3A_26, %lt3A_28 : i1
    %and3A_30 = arith.andi %ne3A_29, %ne3A_25 : i1
    %add3A_31 = arith.addi %rem3A_23, %select_n3A_22 : i32
    %select_n3A_32 = arith.select %and3A_30, %add3A_31, %rem3A_23 : i32
    %dma_start3A = arith.constant 0 : i32
    %dma_start3A_33 = tpu.memref_slice %arg2[%select_n3A, %select_n3A_32, %dma_start3A] : memref<64x64x16384xf32, #tpu.memory_space<hbm>> -> memref<1x1x16384xf32, #tpu.memory_space<hbm>>
    %dma_start3A_34 = tpu.memref_squeeze %dma_start3A_33 : memref<1x1x16384xf32, #tpu.memory_space<hbm>> -> memref<16384xf32, #tpu.memory_space<hbm>>
    %dma_start3A_35 = arith.constant 0 : i32
    %dma_start3A_36 = tpu.memref_slice %arg2[%select_n3A, %select_n3A_32, %dma_start3A_35] : memref<64x64x16384xf32, #tpu.memory_space<hbm>> -> memref<1x1x16384xf32, #tpu.memory_space<hbm>>
    %dma_start3A_37 = tpu.memref_squeeze %dma_start3A_36 : memref<1x1x16384xf32, #tpu.memory_space<hbm>> -> memref<16384xf32, #tpu.memory_space<hbm>>
    tpu.enqueue_dma source(%dma_start3A_37 : memref<16384xf32, #tpu.memory_space<hbm>>) target(%arg5 : memref<16384xf32, #tpu.memory_space<vmem>>) target_semaphore(%arg10 : memref<!tpu.dma_semaphore, #tpu.memory_space<semaphore_mem>>)
    %add3A_38 = arith.constant 1 : i32
    %add3A_39 = arith.addi %mul3A_2, %add3A_38 : i32
    %jit3A_40 = arith.constant 64 : i32
    %div3A_41 = arith.divsi %add3A_39, %jit3A_40 : i32
    %sign3A_42 = arith.constant 0 : i32
    %sign3A_43 = arith.cmpi sgt, %add3A_39, %sign3A_42 : i32
    %sign3A_44 = arith.extui %sign3A_43 : i1 to i32
    %sign3A_45 = arith.constant 0 : i32
    %sign3A_46 = arith.cmpi slt, %add3A_39, %sign3A_45 : i32
    %sign3A_47 = arith.extui %sign3A_46 : i1 to i32
    %sign3A_48 = arith.subi %sign3A_44, %sign3A_47 : i32
    %sign3A_49 = arith.constant 0 : i32
    %sign3A_50 = arith.cmpi sgt, %jit3A_40, %sign3A_49 : i32
    %sign3A_51 = arith.extui %sign3A_50 : i1 to i32
    %sign3A_52 = arith.constant 0 : i32
    %sign3A_53 = arith.cmpi slt, %jit3A_40, %sign3A_52 : i32
    %sign3A_54 = arith.extui %sign3A_53 : i1 to i32
    %sign3A_55 = arith.subi %sign3A_51, %sign3A_54 : i32
    %ne3A_56 = arith.cmpi ne, %sign3A_48, %sign3A_55 : i32
    %rem3A_57 = arith.remsi %add3A_39, %jit3A_40 : i32
    %ne3A_58 = arith.constant 0 : i32
    %ne3A_59 = arith.cmpi ne, %rem3A_57, %ne3A_58 : i32
    %and3A_60 = arith.andi %ne3A_56, %ne3A_59 : i1
    %sub3A_61 = arith.constant 1 : i32
    %sub3A_62 = arith.subi %div3A_41, %sub3A_61 : i32
    %select_n3A_63 = arith.select %and3A_60, %sub3A_62, %div3A_41 : i32
    %jit3A_64 = arith.constant 64 : i32
    %eq3A_65 = arith.constant 0 : i32
    %eq3A_66 = arith.cmpi eq, %jit3A_64, %eq3A_65 : i32
    %jit3A_67 = arith.constant 1 : i32
    %select_n3A_68 = arith.select %eq3A_66, %jit3A_67, %jit3A_64 : i32
    %rem3A_69 = arith.remsi %add3A_39, %select_n3A_68 : i32
    %ne3A_70 = arith.constant 0 : i32
    %ne3A_71 = arith.cmpi ne, %rem3A_69, %ne3A_70 : i32
    %lt3A_72 = arith.constant 0 : i32
    %lt3A_73 = arith.cmpi slt, %rem3A_69, %lt3A_72 : i32
    %lt3A_74 = arith.constant 0 : i32
    %lt3A_75 = arith.cmpi slt, %select_n3A_68, %lt3A_74 : i32
    %ne3A_76 = arith.xori %lt3A_73, %lt3A_75 : i1
    %and3A_77 = arith.andi %ne3A_76, %ne3A_71 : i1
    %add3A_78 = arith.addi %rem3A_69, %select_n3A_68 : i32
    %select_n3A_79 = arith.select %and3A_77, %add3A_78, %rem3A_69 : i32
    %dma_start3A_80 = arith.constant 0 : i32
    %dma_start3A_81 = tpu.memref_slice %arg2[%select_n3A_63, %select_n3A_79, %dma_start3A_80] : memref<64x64x16384xf32, #tpu.memory_space<hbm>> -> memref<1x1x16384xf32, #tpu.memory_space<hbm>>
    %dma_start3A_82 = tpu.memref_squeeze %dma_start3A_81 : memref<1x1x16384xf32, #tpu.memory_space<hbm>> -> memref<16384xf32, #tpu.memory_space<hbm>>
    %dma_start3A_83 = arith.constant 0 : i32
    %dma_start3A_84 = tpu.memref_slice %arg2[%select_n3A_63, %select_n3A_79, %dma_start3A_83] : memref<64x64x16384xf32, #tpu.memory_space<hbm>> -> memref<1x1x16384xf32, #tpu.memory_space<hbm>>
    %dma_start3A_85 = tpu.memref_squeeze %dma_start3A_84 : memref<1x1x16384xf32, #tpu.memory_space<hbm>> -> memref<16384xf32, #tpu.memory_space<hbm>>
    tpu.enqueue_dma source(%dma_start3A_85 : memref<16384xf32, #tpu.memory_space<hbm>>) target(%arg6 : memref<16384xf32, #tpu.memory_space<vmem>>) target_semaphore(%arg11 : memref<!tpu.dma_semaphore, #tpu.memory_space<semaphore_mem>>)
    %scan3A = arith.constant 0 : i32
    %scan3A_86 = arith.constant 0 : i32
    %scan3A_87 = arith.constant 64 : i32
    %scan3A_88 = arith.addi %scan3A_86, %scan3A_87 : i32
    %scan3A_89 = arith.constant 1 : i32
    scf.for %scan3A_190 = %scan3A_86 to %scan3A_88 step %scan3A_89  : i32 {
      %mul3A_191 = arith.constant 2 : i32
      %mul3A_192 = arith.muli %scan3A_190, %mul3A_191 : i32
      %add3A_193 = arith.constant 0 : i32
      %add3A_194 = arith.addi %mul3A_192, %add3A_193 : i32
      %add3A_195 = arith.addi %mul3A_2, %add3A_194 : i32
      %jit3A_196 = arith.constant 64 : i32
      %div3A_197 = arith.divsi %add3A_195, %jit3A_196 : i32
      %sign3A_198 = arith.constant 0 : i32
      %sign3A_199 = arith.cmpi sgt, %add3A_195, %sign3A_198 : i32
      %sign3A_200 = arith.extui %sign3A_199 : i1 to i32
      %sign3A_201 = arith.constant 0 : i32
      %sign3A_202 = arith.cmpi slt, %add3A_195, %sign3A_201 : i32
      %sign3A_203 = arith.extui %sign3A_202 : i1 to i32
      %sign3A_204 = arith.subi %sign3A_200, %sign3A_203 : i32
      %sign3A_205 = arith.constant 0 : i32
      %sign3A_206 = arith.cmpi sgt, %jit3A_196, %sign3A_205 : i32
      %sign3A_207 = arith.extui %sign3A_206 : i1 to i32
      %sign3A_208 = arith.constant 0 : i32
      %sign3A_209 = arith.cmpi slt, %jit3A_196, %sign3A_208 : i32
      %sign3A_210 = arith.extui %sign3A_209 : i1 to i32
      %sign3A_211 = arith.subi %sign3A_207, %sign3A_210 : i32
      %ne3A_212 = arith.cmpi ne, %sign3A_204, %sign3A_211 : i32
      %rem3A_213 = arith.remsi %add3A_195, %jit3A_196 : i32
      %ne3A_214 = arith.constant 0 : i32
      %ne3A_215 = arith.cmpi ne, %rem3A_213, %ne3A_214 : i32
      %and3A_216 = arith.andi %ne3A_212, %ne3A_215 : i1
      %sub3A_217 = arith.constant 1 : i32
      %sub3A_218 = arith.subi %div3A_197, %sub3A_217 : i32
      %select_n3A_219 = arith.select %and3A_216, %sub3A_218, %div3A_197 : i32
      %jit3A_220 = arith.constant 64 : i32
      %eq3A_221 = arith.constant 0 : i32
      %eq3A_222 = arith.cmpi eq, %jit3A_220, %eq3A_221 : i32
      %jit3A_223 = arith.constant 1 : i32
      %select_n3A_224 = arith.select %eq3A_222, %jit3A_223, %jit3A_220 : i32
      %rem3A_225 = arith.remsi %add3A_195, %select_n3A_224 : i32
      %ne3A_226 = arith.constant 0 : i32
      %ne3A_227 = arith.cmpi ne, %rem3A_225, %ne3A_226 : i32
      %lt3A_228 = arith.constant 0 : i32
      %lt3A_229 = arith.cmpi slt, %rem3A_225, %lt3A_228 : i32
      %lt3A_230 = arith.constant 0 : i32
      %lt3A_231 = arith.cmpi slt, %select_n3A_224, %lt3A_230 : i32
      %ne3A_232 = arith.xori %lt3A_229, %lt3A_231 : i1
      %and3A_233 = arith.andi %ne3A_232, %ne3A_227 : i1
      %add3A_234 = arith.addi %rem3A_225, %select_n3A_224 : i32
      %select_n3A_235 = arith.select %and3A_233, %add3A_234, %rem3A_225 : i32
      %dma_wait3A_236 = arith.constant 0 : i32
      %dma_wait3A_237 = tpu.memref_slice %arg2[%select_n3A_219, %select_n3A_235, %dma_wait3A_236] : memref<64x64x16384xf32, #tpu.memory_space<hbm>> -> memref<1x1x16384xf32, #tpu.memory_space<hbm>>
      %dma_wait3A_238 = tpu.memref_squeeze %dma_wait3A_237 : memref<1x1x16384xf32, #tpu.memory_space<hbm>> -> memref<16384xf32, #tpu.memory_space<hbm>>
      %dma_wait3A_239 = arith.constant 0 : i32
      %dma_wait3A_240 = tpu.memref_slice %arg2[%select_n3A_219, %select_n3A_235, %dma_wait3A_239] : memref<64x64x16384xf32, #tpu.memory_space<hbm>> -> memref<1x1x16384xf32, #tpu.memory_space<hbm>>
      %dma_wait3A_241 = tpu.memref_squeeze %dma_wait3A_240 : memref<1x1x16384xf32, #tpu.memory_space<hbm>> -> memref<16384xf32, #tpu.memory_space<hbm>>
      tpu.wait_dma2 semaphore(%arg10 : memref<!tpu.dma_semaphore, #tpu.memory_space<semaphore_mem>>) src(%dma_wait3A_241 : memref<16384xf32, #tpu.memory_space<hbm>>) dst(%arg5 : memref<16384xf32, #tpu.memory_space<vmem>>)
      %ge3A = arith.constant 2 : i32
      %ge3A_242 = arith.cmpi sge, %add3A_194, %ge3A : i32
      %convert_element_type3A = arith.extui %ge3A_242 : i1 to i32
      %cond3A = arith.constant 0 : i32
      %cond3A_243 = arith.cmpi ne, %convert_element_type3A, %cond3A : i32
      scf.if %cond3A_243 {
        %sub3A_591 = arith.constant 2 : i32
        %sub3A_592 = arith.subi %add3A_195, %sub3A_591 : i32
        %jit3A_593 = arith.constant 64 : i32
        %div3A_594 = arith.divsi %sub3A_592, %jit3A_593 : i32
        %sign3A_595 = arith.constant 0 : i32
        %sign3A_596 = arith.cmpi sgt, %sub3A_592, %sign3A_595 : i32
        %sign3A_597 = arith.extui %sign3A_596 : i1 to i32
        %sign3A_598 = arith.constant 0 : i32
        %sign3A_599 = arith.cmpi slt, %sub3A_592, %sign3A_598 : i32
        %sign3A_600 = arith.extui %sign3A_599 : i1 to i32
        %sign3A_601 = arith.subi %sign3A_597, %sign3A_600 : i32
        %sign3A_602 = arith.constant 0 : i32
        %sign3A_603 = arith.cmpi sgt, %jit3A_593, %sign3A_602 : i32
        %sign3A_604 = arith.extui %sign3A_603 : i1 to i32
        %sign3A_605 = arith.constant 0 : i32
        %sign3A_606 = arith.cmpi slt, %jit3A_593, %sign3A_605 : i32
        %sign3A_607 = arith.extui %sign3A_606 : i1 to i32
        %sign3A_608 = arith.subi %sign3A_604, %sign3A_607 : i32
        %ne3A_609 = arith.cmpi ne, %sign3A_601, %sign3A_608 : i32
        %rem3A_610 = arith.remsi %sub3A_592, %jit3A_593 : i32
        %ne3A_611 = arith.constant 0 : i32
        %ne3A_612 = arith.cmpi ne, %rem3A_610, %ne3A_611 : i32
        %and3A_613 = arith.andi %ne3A_609, %ne3A_612 : i1
        %sub3A_614 = arith.constant 1 : i32
        %sub3A_615 = arith.subi %div3A_594, %sub3A_614 : i32
        %select_n3A_616 = arith.select %and3A_613, %sub3A_615, %div3A_594 : i32
        %jit3A_617 = arith.constant 64 : i32
        %eq3A_618 = arith.constant 0 : i32
        %eq3A_619 = arith.cmpi eq, %jit3A_617, %eq3A_618 : i32
        %jit3A_620 = arith.constant 1 : i32
        %select_n3A_621 = arith.select %eq3A_619, %jit3A_620, %jit3A_617 : i32
        %rem3A_622 = arith.remsi %sub3A_592, %select_n3A_621 : i32
        %ne3A_623 = arith.constant 0 : i32
        %ne3A_624 = arith.cmpi ne, %rem3A_622, %ne3A_623 : i32
        %lt3A_625 = arith.constant 0 : i32
        %lt3A_626 = arith.cmpi slt, %rem3A_622, %lt3A_625 : i32
        %lt3A_627 = arith.constant 0 : i32
        %lt3A_628 = arith.cmpi slt, %select_n3A_621, %lt3A_627 : i32
        %ne3A_629 = arith.xori %lt3A_626, %lt3A_628 : i1
        %and3A_630 = arith.andi %ne3A_629, %ne3A_624 : i1
        %add3A_631 = arith.addi %rem3A_622, %select_n3A_621 : i32
        %select_n3A_632 = arith.select %and3A_630, %add3A_631, %rem3A_622 : i32
        %dma_wait3A_633 = arith.constant 0 : i32
        %dma_wait3A_634 = tpu.memref_slice %arg4[%select_n3A_616, %select_n3A_632, %dma_wait3A_633] : memref<64x64x16384xf32, #tpu.memory_space<hbm>> -> memref<1x1x16384xf32, #tpu.memory_space<hbm>>
        %dma_wait3A_635 = tpu.memref_squeeze %dma_wait3A_634 : memref<1x1x16384xf32, #tpu.memory_space<hbm>> -> memref<16384xf32, #tpu.memory_space<hbm>>
        %dma_wait3A_636 = arith.constant 0 : i32
        %dma_wait3A_637 = tpu.memref_slice %arg4[%select_n3A_616, %select_n3A_632, %dma_wait3A_636] : memref<64x64x16384xf32, #tpu.memory_space<hbm>> -> memref<1x1x16384xf32, #tpu.memory_space<hbm>>
        %dma_wait3A_638 = tpu.memref_squeeze %dma_wait3A_637 : memref<1x1x16384xf32, #tpu.memory_space<hbm>> -> memref<16384xf32, #tpu.memory_space<hbm>>
        tpu.wait_dma2 semaphore(%arg12 : memref<!tpu.dma_semaphore, #tpu.memory_space<semaphore_mem>>) src(%arg7 : memref<16384xf32, #tpu.memory_space<vmem>>) dst(%dma_wait3A_638 : memref<16384xf32, #tpu.memory_space<hbm>>)
      } else {
      }
      %jit3A_244 = arith.constant 64 : i32
      %div3A_245 = arith.divsi %add3A_195, %jit3A_244 : i32
      %sign3A_246 = arith.constant 0 : i32
      %sign3A_247 = arith.cmpi sgt, %add3A_195, %sign3A_246 : i32
      %sign3A_248 = arith.extui %sign3A_247 : i1 to i32
      %sign3A_249 = arith.constant 0 : i32
      %sign3A_250 = arith.cmpi slt, %add3A_195, %sign3A_249 : i32
      %sign3A_251 = arith.extui %sign3A_250 : i1 to i32
      %sign3A_252 = arith.subi %sign3A_248, %sign3A_251 : i32
      %sign3A_253 = arith.constant 0 : i32
      %sign3A_254 = arith.cmpi sgt, %jit3A_244, %sign3A_253 : i32
      %sign3A_255 = arith.extui %sign3A_254 : i1 to i32
      %sign3A_256 = arith.constant 0 : i32
      %sign3A_257 = arith.cmpi slt, %jit3A_244, %sign3A_256 : i32
      %sign3A_258 = arith.extui %sign3A_257 : i1 to i32
      %sign3A_259 = arith.subi %sign3A_255, %sign3A_258 : i32
      %ne3A_260 = arith.cmpi ne, %sign3A_252, %sign3A_259 : i32
      %rem3A_261 = arith.remsi %add3A_195, %jit3A_244 : i32
      %ne3A_262 = arith.constant 0 : i32
      %ne3A_263 = arith.cmpi ne, %rem3A_261, %ne3A_262 : i32
      %and3A_264 = arith.andi %ne3A_260, %ne3A_263 : i1
      %sub3A_265 = arith.constant 1 : i32
      %sub3A_266 = arith.subi %div3A_245, %sub3A_265 : i32
      %select_n3A_267 = arith.select %and3A_264, %sub3A_266, %div3A_245 : i32
      %broadcast_in_dim3A = vector.broadcast %select_n3A_267 : i32 to vector<16xi32>
      %gather3A = tpu.vector_load_idx %arg9[%broadcast_in_dim3A] : memref<64xi32, #tpu.memory_space<vmem>>[vector<16xi32>], vector<16xi32>,
      %sub3A_268 = arith.constant 2 : i32
      %sub3A_269 = vector.broadcast %sub3A_268 : i32 to vector<16xi32>
      %sub3A_270 = arith.subi %gather3A, %sub3A_269 : vector<16xi32>
      %sub3A_271 = arith.subi %iota3A, %sub3A_270 : vector<16xi32>
      %lt3A_272 = arith.constant 0 : i32
      %lt3A_273 = vector.broadcast %lt3A_272 : i32 to vector<16xi32>
      %lt3A_274 = arith.cmpi slt, %sub3A_271, %lt3A_273 : vector<16xi32>
      %neg3A = arith.constant 0 : i32
      %neg3A_275 = vector.broadcast %neg3A : i32 to vector<16xi32>
      %neg3A_276 = arith.subi %neg3A_275, %sub3A_271 : vector<16xi32>
      %select_n3A_277 = arith.select %lt3A_274, %neg3A_276, %sub3A_271 : vector<16xi1>, vector<16xi32>
      %gather3A_278 = tpu.vector_load_idx %arg5[%select_n3A_277] : memref<16384xf32, #tpu.memory_space<vmem>>[vector<16xi32>], vector<16xf32>,
      %add3A_279 = arith.constant 16 : i32
      %add3A_280 = vector.broadcast %add3A_279 : i32 to vector<16xi32>
      %add3A_281 = arith.addi %sub3A_271, %add3A_280 : vector<16xi32>
      %gather3A_282 = tpu.vector_load_idx %arg5[%add3A_281] : memref<16384xf32, #tpu.memory_space<vmem>>[vector<16xi32>], vector<16xf32>,
      %add3A_283 = arith.constant 32 : i32
      %add3A_284 = vector.broadcast %add3A_283 : i32 to vector<16xi32>
      %add3A_285 = arith.addi %sub3A_271, %add3A_284 : vector<16xi32>
      %gather3A_286 = tpu.vector_load_idx %arg5[%add3A_285] : memref<16384xf32, #tpu.memory_space<vmem>>[vector<16xi32>], vector<16xf32>,
      %add3A_287 = arith.constant 48 : i32
      %add3A_288 = vector.broadcast %add3A_287 : i32 to vector<16xi32>
      %add3A_289 = arith.addi %sub3A_271, %add3A_288 : vector<16xi32>
      %gather3A_290 = tpu.vector_load_idx %arg5[%add3A_289] : memref<16384xf32, #tpu.memory_space<vmem>>[vector<16xi32>], vector<16xf32>,
      %swap3A = arith.constant 0 : index
      %swap3A_291 = tpu.vector_load %arg7[%swap3A] {strides = array<i32>} : memref<16384xf32, #tpu.memory_space<vmem>>, vector<16xf32>,
      tpu.vector_store %arg7[%swap3A], %gather3A_278 {strides = array<i32>} : memref<16384xf32, #tpu.memory_space<vmem>>, vector<16xf32>,
      %swap3A_292 = arith.constant 16 : index
      %swap3A_293 = tpu.vector_load %arg7[%swap3A_292] {strides = array<i32>} : memref<16384xf32, #tpu.memory_space<vmem>>, vector<16xf32>,
      tpu.vector_store %arg7[%swap3A_292], %gather3A_282 {strides = array<i32>} : memref<16384xf32, #tpu.memory_space<vmem>>, vector<16xf32>,
      %swap3A_294 = arith.constant 32 : index
      %swap3A_295 = tpu.vector_load %arg7[%swap3A_294] {strides = array<i32>} : memref<16384xf32, #tpu.memory_space<vmem>>, vector<16xf32>,
      tpu.vector_store %arg7[%swap3A_294], %gather3A_286 {strides = array<i32>} : memref<16384xf32, #tpu.memory_space<vmem>>, vector<16xf32>,
      %swap3A_296 = arith.constant 48 : index
      %swap3A_297 = tpu.vector_load %arg7[%swap3A_296] {strides = array<i32>} : memref<16384xf32, #tpu.memory_space<vmem>>, vector<16xf32>,
      tpu.vector_store %arg7[%swap3A_296], %gather3A_290 {strides = array<i32>} : memref<16384xf32, #tpu.memory_space<vmem>>, vector<16xf32>,
      %scan3A_298 = arith.constant 0 : i32
      %scan3A_299 = arith.constant 0 : i32
      %scan3A_300 = arith.constant 127 : i32
      %scan3A_301 = arith.addi %scan3A_299, %scan3A_300 : i32
      %scan3A_302 = arith.constant 1 : i32
      scf.for %scan3A_591 = %scan3A_299 to %scan3A_301 step %scan3A_302  : i32 {
        %mul3A_592 = arith.constant 128 : i32
        %mul3A_593 = arith.muli %scan3A_591, %mul3A_592 : i32
        %add3A_594 = arith.constant 64 : i32
        %add3A_595 = arith.addi %add3A_594, %mul3A_593 : i32
        %add3A_596 = vector.broadcast %add3A_595 : i32 to vector<16xi32>
        %add3A_597 = arith.addi %sub3A_271, %add3A_596 : vector<16xi32>
        %add3A_598 = arith.constant 0 : i32
        %add3A_599 = vector.broadcast %add3A_598 : i32 to vector<16xi32>
        %add3A_600 = arith.addi %add3A_597, %add3A_599 : vector<16xi32>
        %gather3A_601 = tpu.vector_load_idx %arg5[%add3A_600] : memref<16384xf32, #tpu.memory_space<vmem>>[vector<16xi32>], vector<16xf32>,
        %add3A_602 = arith.constant 16 : i32
        %add3A_603 = vector.broadcast %add3A_602 : i32 to vector<16xi32>
        %add3A_604 = arith.addi %add3A_597, %add3A_603 : vector<16xi32>
        %gather3A_605 = tpu.vector_load_idx %arg5[%add3A_604] : memref<16384xf32, #tpu.memory_space<vmem>>[vector<16xi32>], vector<16xf32>,
        %add3A_606 = arith.constant 32 : i32
        %add3A_607 = vector.broadcast %add3A_606 : i32 to vector<16xi32>
        %add3A_608 = arith.addi %add3A_597, %add3A_607 : vector<16xi32>
        %gather3A_609 = tpu.vector_load_idx %arg5[%add3A_608] : memref<16384xf32, #tpu.memory_space<vmem>>[vector<16xi32>], vector<16xf32>,
        %add3A_610 = arith.constant 48 : i32
        %add3A_611 = vector.broadcast %add3A_610 : i32 to vector<16xi32>
        %add3A_612 = arith.addi %add3A_597, %add3A_611 : vector<16xi32>
        %gather3A_613 = tpu.vector_load_idx %arg5[%add3A_612] : memref<16384xf32, #tpu.memory_space<vmem>>[vector<16xi32>], vector<16xf32>,
        %add3A_614 = arith.constant 64 : i32
        %add3A_615 = vector.broadcast %add3A_614 : i32 to vector<16xi32>
        %add3A_616 = arith.addi %add3A_597, %add3A_615 : vector<16xi32>
        %gather3A_617 = tpu.vector_load_idx %arg5[%add3A_616] : memref<16384xf32, #tpu.memory_space<vmem>>[vector<16xi32>], vector<16xf32>,
        %add3A_618 = arith.constant 80 : i32
        %add3A_619 = vector.broadcast %add3A_618 : i32 to vector<16xi32>
        %add3A_620 = arith.addi %add3A_597, %add3A_619 : vector<16xi32>
        %gather3A_621 = tpu.vector_load_idx %arg5[%add3A_620] : memref<16384xf32, #tpu.memory_space<vmem>>[vector<16xi32>], vector<16xf32>,
        %add3A_622 = arith.constant 96 : i32
        %add3A_623 = vector.broadcast %add3A_622 : i32 to vector<16xi32>
        %add3A_624 = arith.addi %add3A_597, %add3A_623 : vector<16xi32>
        %gather3A_625 = tpu.vector_load_idx %arg5[%add3A_624] : memref<16384xf32, #tpu.memory_space<vmem>>[vector<16xi32>], vector<16xf32>,
        %add3A_626 = arith.constant 112 : i32
        %add3A_627 = vector.broadcast %add3A_626 : i32 to vector<16xi32>
        %add3A_628 = arith.addi %add3A_597, %add3A_627 : vector<16xi32>
        %gather3A_629 = tpu.vector_load_idx %arg5[%add3A_628] : memref<16384xf32, #tpu.memory_space<vmem>>[vector<16xi32>], vector<16xf32>,
        %add3A_630 = arith.constant 0 : i32
        %add3A_631 = arith.addi %add3A_595, %add3A_630 : i32
        %swap3A_632 = arith.index_cast %add3A_631 : i32 to index
        %swap3A_633 = tpu.vector_load %arg7[%swap3A_632] {strides = array<i32>} : memref<16384xf32, #tpu.memory_space<vmem>>, vector<16xf32>,
        tpu.vector_store %arg7[%swap3A_632], %gather3A_601 {strides = array<i32>} : memref<16384xf32, #tpu.memory_space<vmem>>, vector<16xf32>,
        %add3A_634 = arith.constant 16 : i32
        %add3A_635 = arith.addi %add3A_595, %add3A_634 : i32
        %swap3A_636 = arith.index_cast %add3A_635 : i32 to index
        %swap3A_637 = tpu.vector_load %arg7[%swap3A_636] {strides = array<i32>} : memref<16384xf32, #tpu.memory_space<vmem>>, vector<16xf32>,
        tpu.vector_store %arg7[%swap3A_636], %gather3A_605 {strides = array<i32>} : memref<16384xf32, #tpu.memory_space<vmem>>, vector<16xf32>,
        %add3A_638 = arith.constant 32 : i32
        %add3A_639 = arith.addi %add3A_595, %add3A_638 : i32
        %swap3A_640 = arith.index_cast %add3A_639 : i32 to index
        %swap3A_641 = tpu.vector_load %arg7[%swap3A_640] {strides = array<i32>} : memref<16384xf32, #tpu.memory_space<vmem>>, vector<16xf32>,
        tpu.vector_store %arg7[%swap3A_640], %gather3A_609 {strides = array<i32>} : memref<16384xf32, #tpu.memory_space<vmem>>, vector<16xf32>,
        %add3A_642 = arith.constant 48 : i32
        %add3A_643 = arith.addi %add3A_595, %add3A_642 : i32
        %swap3A_644 = arith.index_cast %add3A_643 : i32 to index
        %swap3A_645 = tpu.vector_load %arg7[%swap3A_644] {strides = array<i32>} : memref<16384xf32, #tpu.memory_space<vmem>>, vector<16xf32>,
        tpu.vector_store %arg7[%swap3A_644], %gather3A_613 {strides = array<i32>} : memref<16384xf32, #tpu.memory_space<vmem>>, vector<16xf32>,
        %add3A_646 = arith.constant 64 : i32
        %add3A_647 = arith.addi %add3A_595, %add3A_646 : i32
        %swap3A_648 = arith.index_cast %add3A_647 : i32 to index
        %swap3A_649 = tpu.vector_load %arg7[%swap3A_648] {strides = array<i32>} : memref<16384xf32, #tpu.memory_space<vmem>>, vector<16xf32>,
        tpu.vector_store %arg7[%swap3A_648], %gather3A_617 {strides = array<i32>} : memref<16384xf32, #tpu.memory_space<vmem>>, vector<16xf32>,
        %add3A_650 = arith.constant 80 : i32
        %add3A_651 = arith.addi %add3A_595, %add3A_650 : i32
        %swap3A_652 = arith.index_cast %add3A_651 : i32 to index
        %swap3A_653 = tpu.vector_load %arg7[%swap3A_652] {strides = array<i32>} : memref<16384xf32, #tpu.memory_space<vmem>>, vector<16xf32>,
        tpu.vector_store %arg7[%swap3A_652], %gather3A_621 {strides = array<i32>} : memref<16384xf32, #tpu.memory_space<vmem>>, vector<16xf32>,
        %add3A_654 = arith.constant 96 : i32
        %add3A_655 = arith.addi %add3A_595, %add3A_654 : i32
        %swap3A_656 = arith.index_cast %add3A_655 : i32 to index
        %swap3A_657 = tpu.vector_load %arg7[%swap3A_656] {strides = array<i32>} : memref<16384xf32, #tpu.memory_space<vmem>>, vector<16xf32>,
        tpu.vector_store %arg7[%swap3A_656], %gather3A_625 {strides = array<i32>} : memref<16384xf32, #tpu.memory_space<vmem>>, vector<16xf32>,
        %add3A_658 = arith.constant 112 : i32
        %add3A_659 = arith.addi %add3A_595, %add3A_658 : i32
        %swap3A_660 = arith.index_cast %add3A_659 : i32 to index
        %swap3A_661 = tpu.vector_load %arg7[%swap3A_660] {strides = array<i32>} : memref<16384xf32, #tpu.memory_space<vmem>>, vector<16xf32>,
        tpu.vector_store %arg7[%swap3A_660], %gather3A_629 {strides = array<i32>} : memref<16384xf32, #tpu.memory_space<vmem>>, vector<16xf32>,
      }
      %scan3A_303 = arith.constant 127 : i32
      %add3A_304 = arith.constant 16368 : i32
      %add3A_305 = vector.broadcast %add3A_304 : i32 to vector<16xi32>
      %add3A_306 = arith.addi %sub3A_271, %add3A_305 : vector<16xi32>
      %gt3A = arith.constant 16383 : i32
      %gt3A_307 = vector.broadcast %gt3A : i32 to vector<16xi32>
      %gt3A_308 = arith.cmpi sgt, %add3A_306, %gt3A_307 : vector<16xi32>
      %sub3A_309 = arith.constant 32766 : i32
      %sub3A_310 = vector.broadcast %sub3A_309 : i32 to vector<16xi32>
      %sub3A_311 = arith.subi %sub3A_310, %add3A_306 : vector<16xi32>
      %select_n3A_312 = arith.select %gt3A_308, %sub3A_311, %add3A_306 : vector<16xi1>, vector<16xi32>
      %add3A_313 = arith.constant 16320 : i32
      %add3A_314 = vector.broadcast %add3A_313 : i32 to vector<16xi32>
      %add3A_315 = arith.addi %sub3A_271, %add3A_314 : vector<16xi32>
      %gather3A_316 = tpu.vector_load_idx %arg5[%add3A_315] : memref<16384xf32, #tpu.memory_space<vmem>>[vector<16xi32>], vector<16xf32>,
      %add3A_317 = arith.constant 16336 : i32
      %add3A_318 = vector.broadcast %add3A_317 : i32 to vector<16xi32>
      %add3A_319 = arith.addi %sub3A_271, %add3A_318 : vector<16xi32>
      %gather3A_320 = tpu.vector_load_idx %arg5[%add3A_319] : memref<16384xf32, #tpu.memory_space<vmem>>[vector<16xi32>], vector<16xf32>,
      %add3A_321 = arith.constant 16352 : i32
      %add3A_322 = vector.broadcast %add3A_321 : i32 to vector<16xi32>
      %add3A_323 = arith.addi %sub3A_271, %add3A_322 : vector<16xi32>
      %gather3A_324 = tpu.vector_load_idx %arg5[%add3A_323] : memref<16384xf32, #tpu.memory_space<vmem>>[vector<16xi32>], vector<16xf32>,
      %gather3A_325 = tpu.vector_load_idx %arg5[%select_n3A_312] : memref<16384xf32, #tpu.memory_space<vmem>>[vector<16xi32>], vector<16xf32>,
      %swap3A_326 = arith.constant 16320 : index
      %swap3A_327 = tpu.vector_load %arg7[%swap3A_326] {strides = array<i32>} : memref<16384xf32, #tpu.memory_space<vmem>>, vector<16xf32>,
      tpu.vector_store %arg7[%swap3A_326], %gather3A_316 {strides = array<i32>} : memref<16384xf32, #tpu.memory_space<vmem>>, vector<16xf32>,
      %swap3A_328 = arith.constant 16336 : index
      %swap3A_329 = tpu.vector_load %arg7[%swap3A_328] {strides = array<i32>} : memref<16384xf32, #tpu.memory_space<vmem>>, vector<16xf32>,
      tpu.vector_store %arg7[%swap3A_328], %gather3A_320 {strides = array<i32>} : memref<16384xf32, #tpu.memory_space<vmem>>, vector<16xf32>,
      %swap3A_330 = arith.constant 16352 : index
      %swap3A_331 = tpu.vector_load %arg7[%swap3A_330] {strides = array<i32>} : memref<16384xf32, #tpu.memory_space<vmem>>, vector<16xf32>,
      tpu.vector_store %arg7[%swap3A_330], %gather3A_324 {strides = array<i32>} : memref<16384xf32, #tpu.memory_space<vmem>>, vector<16xf32>,
      %swap3A_332 = arith.constant 16368 : index
      %swap3A_333 = tpu.vector_load %arg7[%swap3A_332] {strides = array<i32>} : memref<16384xf32, #tpu.memory_space<vmem>>, vector<16xf32>,
      tpu.vector_store %arg7[%swap3A_332], %gather3A_325 {strides = array<i32>} : memref<16384xf32, #tpu.memory_space<vmem>>, vector<16xf32>,
      %jit3A_334 = arith.constant 64 : i32
      %div3A_335 = arith.divsi %add3A_195, %jit3A_334 : i32
      %sign3A_336 = arith.constant 0 : i32
      %sign3A_337 = arith.cmpi sgt, %add3A_195, %sign3A_336 : i32
      %sign3A_338 = arith.extui %sign3A_337 : i1 to i32
      %sign3A_339 = arith.constant 0 : i32
      %sign3A_340 = arith.cmpi slt, %add3A_195, %sign3A_339 : i32
      %sign3A_341 = arith.extui %sign3A_340 : i1 to i32
      %sign3A_342 = arith.subi %sign3A_338, %sign3A_341 : i32
      %sign3A_343 = arith.constant 0 : i32
      %sign3A_344 = arith.cmpi sgt, %jit3A_334, %sign3A_343 : i32
      %sign3A_345 = arith.extui %sign3A_344 : i1 to i32
      %sign3A_346 = arith.constant 0 : i32
      %sign3A_347 = arith.cmpi slt, %jit3A_334, %sign3A_346 : i32
      %sign3A_348 = arith.extui %sign3A_347 : i1 to i32
      %sign3A_349 = arith.subi %sign3A_345, %sign3A_348 : i32
      %ne3A_350 = arith.cmpi ne, %sign3A_342, %sign3A_349 : i32
      %rem3A_351 = arith.remsi %add3A_195, %jit3A_334 : i32
      %ne3A_352 = arith.constant 0 : i32
      %ne3A_353 = arith.cmpi ne, %rem3A_351, %ne3A_352 : i32
      %and3A_354 = arith.andi %ne3A_350, %ne3A_353 : i1
      %sub3A_355 = arith.constant 1 : i32
      %sub3A_356 = arith.subi %div3A_335, %sub3A_355 : i32
      %select_n3A_357 = arith.select %and3A_354, %sub3A_356, %div3A_335 : i32
      %jit3A_358 = arith.constant 64 : i32
      %eq3A_359 = arith.constant 0 : i32
      %eq3A_360 = arith.cmpi eq, %jit3A_358, %eq3A_359 : i32
      %jit3A_361 = arith.constant 1 : i32
      %select_n3A_362 = arith.select %eq3A_360, %jit3A_361, %jit3A_358 : i32
      %rem3A_363 = arith.remsi %add3A_195, %select_n3A_362 : i32
      %ne3A_364 = arith.constant 0 : i32
      %ne3A_365 = arith.cmpi ne, %rem3A_363, %ne3A_364 : i32
      %lt3A_366 = arith.constant 0 : i32
      %lt3A_367 = arith.cmpi slt, %rem3A_363, %lt3A_366 : i32
      %lt3A_368 = arith.constant 0 : i32
      %lt3A_369 = arith.cmpi slt, %select_n3A_362, %lt3A_368 : i32
      %ne3A_370 = arith.xori %lt3A_367, %lt3A_369 : i1
      %and3A_371 = arith.andi %ne3A_370, %ne3A_365 : i1
      %add3A_372 = arith.addi %rem3A_363, %select_n3A_362 : i32
      %select_n3A_373 = arith.select %and3A_371, %add3A_372, %rem3A_363 : i32
      %dma_start3A_374 = arith.constant 0 : i32
      %dma_start3A_375 = tpu.memref_slice %arg4[%select_n3A_357, %select_n3A_373, %dma_start3A_374] : memref<64x64x16384xf32, #tpu.memory_space<hbm>> -> memref<1x1x16384xf32, #tpu.memory_space<hbm>>
      %dma_start3A_376 = tpu.memref_squeeze %dma_start3A_375 : memref<1x1x16384xf32, #tpu.memory_space<hbm>> -> memref<16384xf32, #tpu.memory_space<hbm>>
      %dma_start3A_377 = arith.constant 0 : i32
      %dma_start3A_378 = tpu.memref_slice %arg4[%select_n3A_357, %select_n3A_373, %dma_start3A_377] : memref<64x64x16384xf32, #tpu.memory_space<hbm>> -> memref<1x1x16384xf32, #tpu.memory_space<hbm>>
      %dma_start3A_379 = tpu.memref_squeeze %dma_start3A_378 : memref<1x1x16384xf32, #tpu.memory_space<hbm>> -> memref<16384xf32, #tpu.memory_space<hbm>>
      tpu.enqueue_dma source(%arg7 : memref<16384xf32, #tpu.memory_space<vmem>>) target(%dma_start3A_379 : memref<16384xf32, #tpu.memory_space<hbm>>) target_semaphore(%arg12 : memref<!tpu.dma_semaphore, #tpu.memory_space<semaphore_mem>>)
      %add3A_380 = arith.constant 2 : i32
      %add3A_381 = arith.addi %add3A_194, %add3A_380 : i32
      %lt3A_382 = arith.constant 128 : i32
      %lt3A_383 = arith.cmpi slt, %add3A_381, %lt3A_382 : i32
      %convert_element_type3A_384 = arith.extui %lt3A_383 : i1 to i32
      %cond3A_385 = arith.constant 0 : i32
      %cond3A_386 = arith.cmpi ne, %convert_element_type3A_384, %cond3A_385 : i32
      scf.if %cond3A_386 {
        %add3A_591 = arith.constant 2 : i32
        %add3A_592 = arith.addi %add3A_195, %add3A_591 : i32
        %jit3A_593 = arith.constant 64 : i32
        %div3A_594 = arith.divsi %add3A_592, %jit3A_593 : i32
        %sign3A_595 = arith.constant 0 : i32
        %sign3A_596 = arith.cmpi sgt, %add3A_592, %sign3A_595 : i32
        %sign3A_597 = arith.extui %sign3A_596 : i1 to i32
        %sign3A_598 = arith.constant 0 : i32
        %sign3A_599 = arith.cmpi slt, %add3A_592, %sign3A_598 : i32
        %sign3A_600 = arith.extui %sign3A_599 : i1 to i32
        %sign3A_601 = arith.subi %sign3A_597, %sign3A_600 : i32
        %sign3A_602 = arith.constant 0 : i32
        %sign3A_603 = arith.cmpi sgt, %jit3A_593, %sign3A_602 : i32
        %sign3A_604 = arith.extui %sign3A_603 : i1 to i32
        %sign3A_605 = arith.constant 0 : i32
        %sign3A_606 = arith.cmpi slt, %jit3A_593, %sign3A_605 : i32
        %sign3A_607 = arith.extui %sign3A_606 : i1 to i32
        %sign3A_608 = arith.subi %sign3A_604, %sign3A_607 : i32
        %ne3A_609 = arith.cmpi ne, %sign3A_601, %sign3A_608 : i32
        %rem3A_610 = arith.remsi %add3A_592, %jit3A_593 : i32
        %ne3A_611 = arith.constant 0 : i32
        %ne3A_612 = arith.cmpi ne, %rem3A_610, %ne3A_611 : i32
        %and3A_613 = arith.andi %ne3A_609, %ne3A_612 : i1
        %sub3A_614 = arith.constant 1 : i32
        %sub3A_615 = arith.subi %div3A_594, %sub3A_614 : i32
        %select_n3A_616 = arith.select %and3A_613, %sub3A_615, %div3A_594 : i32
        %jit3A_617 = arith.constant 64 : i32
        %eq3A_618 = arith.constant 0 : i32
        %eq3A_619 = arith.cmpi eq, %jit3A_617, %eq3A_618 : i32
        %jit3A_620 = arith.constant 1 : i32
        %select_n3A_621 = arith.select %eq3A_619, %jit3A_620, %jit3A_617 : i32
        %rem3A_622 = arith.remsi %add3A_592, %select_n3A_621 : i32
        %ne3A_623 = arith.constant 0 : i32
        %ne3A_624 = arith.cmpi ne, %rem3A_622, %ne3A_623 : i32
        %lt3A_625 = arith.constant 0 : i32
        %lt3A_626 = arith.cmpi slt, %rem3A_622, %lt3A_625 : i32
        %lt3A_627 = arith.constant 0 : i32
        %lt3A_628 = arith.cmpi slt, %select_n3A_621, %lt3A_627 : i32
        %ne3A_629 = arith.xori %lt3A_626, %lt3A_628 : i1
        %and3A_630 = arith.andi %ne3A_629, %ne3A_624 : i1
        %add3A_631 = arith.addi %rem3A_622, %select_n3A_621 : i32
        %select_n3A_632 = arith.select %and3A_630, %add3A_631, %rem3A_622 : i32
        %dma_start3A_633 = arith.constant 0 : i32
        %dma_start3A_634 = tpu.memref_slice %arg2[%select_n3A_616, %select_n3A_632, %dma_start3A_633] : memref<64x64x16384xf32, #tpu.memory_space<hbm>> -> memref<1x1x16384xf32, #tpu.memory_space<hbm>>
        %dma_start3A_635 = tpu.memref_squeeze %dma_start3A_634 : memref<1x1x16384xf32, #tpu.memory_space<hbm>> -> memref<16384xf32, #tpu.memory_space<hbm>>
        %dma_start3A_636 = arith.constant 0 : i32
        %dma_start3A_637 = tpu.memref_slice %arg2[%select_n3A_616, %select_n3A_632, %dma_start3A_636] : memref<64x64x16384xf32, #tpu.memory_space<hbm>> -> memref<1x1x16384xf32, #tpu.memory_space<hbm>>
        %dma_start3A_638 = tpu.memref_squeeze %dma_start3A_637 : memref<1x1x16384xf32, #tpu.memory_space<hbm>> -> memref<16384xf32, #tpu.memory_space<hbm>>
        tpu.enqueue_dma source(%dma_start3A_638 : memref<16384xf32, #tpu.memory_space<hbm>>) target(%arg5 : memref<16384xf32, #tpu.memory_space<vmem>>) target_semaphore(%arg10 : memref<!tpu.dma_semaphore, #tpu.memory_space<semaphore_mem>>)
      } else {
      }
      %mul3A_387 = arith.constant 2 : i32
      %mul3A_388 = arith.muli %scan3A_190, %mul3A_387 : i32
      %add3A_389 = arith.constant 1 : i32
      %add3A_390 = arith.addi %mul3A_388, %add3A_389 : i32
      %add3A_391 = arith.addi %mul3A_2, %add3A_390 : i32
      %jit3A_392 = arith.constant 64 : i32
      %div3A_393 = arith.divsi %add3A_391, %jit3A_392 : i32
      %sign3A_394 = arith.constant 0 : i32
      %sign3A_395 = arith.cmpi sgt, %add3A_391, %sign3A_394 : i32
      %sign3A_396 = arith.extui %sign3A_395 : i1 to i32
      %sign3A_397 = arith.constant 0 : i32
      %sign3A_398 = arith.cmpi slt, %add3A_391, %sign3A_397 : i32
      %sign3A_399 = arith.extui %sign3A_398 : i1 to i32
      %sign3A_400 = arith.subi %sign3A_396, %sign3A_399 : i32
      %sign3A_401 = arith.constant 0 : i32
      %sign3A_402 = arith.cmpi sgt, %jit3A_392, %sign3A_401 : i32
      %sign3A_403 = arith.extui %sign3A_402 : i1 to i32
      %sign3A_404 = arith.constant 0 : i32
      %sign3A_405 = arith.cmpi slt, %jit3A_392, %sign3A_404 : i32
      %sign3A_406 = arith.extui %sign3A_405 : i1 to i32
      %sign3A_407 = arith.subi %sign3A_403, %sign3A_406 : i32
      %ne3A_408 = arith.cmpi ne, %sign3A_400, %sign3A_407 : i32
      %rem3A_409 = arith.remsi %add3A_391, %jit3A_392 : i32
      %ne3A_410 = arith.constant 0 : i32
      %ne3A_411 = arith.cmpi ne, %rem3A_409, %ne3A_410 : i32
      %and3A_412 = arith.andi %ne3A_408, %ne3A_411 : i1
      %sub3A_413 = arith.constant 1 : i32
      %sub3A_414 = arith.subi %div3A_393, %sub3A_413 : i32
      %select_n3A_415 = arith.select %and3A_412, %sub3A_414, %div3A_393 : i32
      %jit3A_416 = arith.constant 64 : i32
      %eq3A_417 = arith.constant 0 : i32
      %eq3A_418 = arith.cmpi eq, %jit3A_416, %eq3A_417 : i32
      %jit3A_419 = arith.constant 1 : i32
      %select_n3A_420 = arith.select %eq3A_418, %jit3A_419, %jit3A_416 : i32
      %rem3A_421 = arith.remsi %add3A_391, %select_n3A_420 : i32
      %ne3A_422 = arith.constant 0 : i32
      %ne3A_423 = arith.cmpi ne, %rem3A_421, %ne3A_422 : i32
      %lt3A_424 = arith.constant 0 : i32
      %lt3A_425 = arith.cmpi slt, %rem3A_421, %lt3A_424 : i32
      %lt3A_426 = arith.constant 0 : i32
      %lt3A_427 = arith.cmpi slt, %select_n3A_420, %lt3A_426 : i32
      %ne3A_428 = arith.xori %lt3A_425, %lt3A_427 : i1
      %and3A_429 = arith.andi %ne3A_428, %ne3A_423 : i1
      %add3A_430 = arith.addi %rem3A_421, %select_n3A_420 : i32
      %select_n3A_431 = arith.select %and3A_429, %add3A_430, %rem3A_421 : i32
      %dma_wait3A_432 = arith.constant 0 : i32
      %dma_wait3A_433 = tpu.memref_slice %arg2[%select_n3A_415, %select_n3A_431, %dma_wait3A_432] : memref<64x64x16384xf32, #tpu.memory_space<hbm>> -> memref<1x1x16384xf32, #tpu.memory_space<hbm>>
      %dma_wait3A_434 = tpu.memref_squeeze %dma_wait3A_433 : memref<1x1x16384xf32, #tpu.memory_space<hbm>> -> memref<16384xf32, #tpu.memory_space<hbm>>
      %dma_wait3A_435 = arith.constant 0 : i32
      %dma_wait3A_436 = tpu.memref_slice %arg2[%select_n3A_415, %select_n3A_431, %dma_wait3A_435] : memref<64x64x16384xf32, #tpu.memory_space<hbm>> -> memref<1x1x16384xf32, #tpu.memory_space<hbm>>
      %dma_wait3A_437 = tpu.memref_squeeze %dma_wait3A_436 : memref<1x1x16384xf32, #tpu.memory_space<hbm>> -> memref<16384xf32, #tpu.memory_space<hbm>>
      tpu.wait_dma2 semaphore(%arg11 : memref<!tpu.dma_semaphore, #tpu.memory_space<semaphore_mem>>) src(%dma_wait3A_437 : memref<16384xf32, #tpu.memory_space<hbm>>) dst(%arg6 : memref<16384xf32, #tpu.memory_space<vmem>>)
      %ge3A_438 = arith.constant 2 : i32
      %ge3A_439 = arith.cmpi sge, %add3A_390, %ge3A_438 : i32
      %convert_element_type3A_440 = arith.extui %ge3A_439 : i1 to i32
      %cond3A_441 = arith.constant 0 : i32
      %cond3A_442 = arith.cmpi ne, %convert_element_type3A_440, %cond3A_441 : i32
      scf.if %cond3A_442 {
        %sub3A_591 = arith.constant 2 : i32
        %sub3A_592 = arith.subi %add3A_391, %sub3A_591 : i32
        %jit3A_593 = arith.constant 64 : i32
        %div3A_594 = arith.divsi %sub3A_592, %jit3A_593 : i32
        %sign3A_595 = arith.constant 0 : i32
        %sign3A_596 = arith.cmpi sgt, %sub3A_592, %sign3A_595 : i32
        %sign3A_597 = arith.extui %sign3A_596 : i1 to i32
        %sign3A_598 = arith.constant 0 : i32
        %sign3A_599 = arith.cmpi slt, %sub3A_592, %sign3A_598 : i32
        %sign3A_600 = arith.extui %sign3A_599 : i1 to i32
        %sign3A_601 = arith.subi %sign3A_597, %sign3A_600 : i32
        %sign3A_602 = arith.constant 0 : i32
        %sign3A_603 = arith.cmpi sgt, %jit3A_593, %sign3A_602 : i32
        %sign3A_604 = arith.extui %sign3A_603 : i1 to i32
        %sign3A_605 = arith.constant 0 : i32
        %sign3A_606 = arith.cmpi slt, %jit3A_593, %sign3A_605 : i32
        %sign3A_607 = arith.extui %sign3A_606 : i1 to i32
        %sign3A_608 = arith.subi %sign3A_604, %sign3A_607 : i32
        %ne3A_609 = arith.cmpi ne, %sign3A_601, %sign3A_608 : i32
        %rem3A_610 = arith.remsi %sub3A_592, %jit3A_593 : i32
        %ne3A_611 = arith.constant 0 : i32
        %ne3A_612 = arith.cmpi ne, %rem3A_610, %ne3A_611 : i32
        %and3A_613 = arith.andi %ne3A_609, %ne3A_612 : i1
        %sub3A_614 = arith.constant 1 : i32
        %sub3A_615 = arith.subi %div3A_594, %sub3A_614 : i32
        %select_n3A_616 = arith.select %and3A_613, %sub3A_615, %div3A_594 : i32
        %jit3A_617 = arith.constant 64 : i32
        %eq3A_618 = arith.constant 0 : i32
        %eq3A_619 = arith.cmpi eq, %jit3A_617, %eq3A_618 : i32
        %jit3A_620 = arith.constant 1 : i32
        %select_n3A_621 = arith.select %eq3A_619, %jit3A_620, %jit3A_617 : i32
        %rem3A_622 = arith.remsi %sub3A_592, %select_n3A_621 : i32
        %ne3A_623 = arith.constant 0 : i32
        %ne3A_624 = arith.cmpi ne, %rem3A_622, %ne3A_623 : i32
        %lt3A_625 = arith.constant 0 : i32
        %lt3A_626 = arith.cmpi slt, %rem3A_622, %lt3A_625 : i32
        %lt3A_627 = arith.constant 0 : i32
        %lt3A_628 = arith.cmpi slt, %select_n3A_621, %lt3A_627 : i32
        %ne3A_629 = arith.xori %lt3A_626, %lt3A_628 : i1
        %and3A_630 = arith.andi %ne3A_629, %ne3A_624 : i1
        %add3A_631 = arith.addi %rem3A_622, %select_n3A_621 : i32
        %select_n3A_632 = arith.select %and3A_630, %add3A_631, %rem3A_622 : i32
        %dma_wait3A_633 = arith.constant 0 : i32
        %dma_wait3A_634 = tpu.memref_slice %arg4[%select_n3A_616, %select_n3A_632, %dma_wait3A_633] : memref<64x64x16384xf32, #tpu.memory_space<hbm>> -> memref<1x1x16384xf32, #tpu.memory_space<hbm>>
        %dma_wait3A_635 = tpu.memref_squeeze %dma_wait3A_634 : memref<1x1x16384xf32, #tpu.memory_space<hbm>> -> memref<16384xf32, #tpu.memory_space<hbm>>
        %dma_wait3A_636 = arith.constant 0 : i32
        %dma_wait3A_637 = tpu.memref_slice %arg4[%select_n3A_616, %select_n3A_632, %dma_wait3A_636] : memref<64x64x16384xf32, #tpu.memory_space<hbm>> -> memref<1x1x16384xf32, #tpu.memory_space<hbm>>
        %dma_wait3A_638 = tpu.memref_squeeze %dma_wait3A_637 : memref<1x1x16384xf32, #tpu.memory_space<hbm>> -> memref<16384xf32, #tpu.memory_space<hbm>>
        tpu.wait_dma2 semaphore(%arg13 : memref<!tpu.dma_semaphore, #tpu.memory_space<semaphore_mem>>) src(%arg8 : memref<16384xf32, #tpu.memory_space<vmem>>) dst(%dma_wait3A_638 : memref<16384xf32, #tpu.memory_space<hbm>>)
      } else {
      }
      %jit3A_443 = arith.constant 64 : i32
      %div3A_444 = arith.divsi %add3A_391, %jit3A_443 : i32
      %sign3A_445 = arith.constant 0 : i32
      %sign3A_446 = arith.cmpi sgt, %add3A_391, %sign3A_445 : i32
      %sign3A_447 = arith.extui %sign3A_446 : i1 to i32
      %sign3A_448 = arith.constant 0 : i32
      %sign3A_449 = arith.cmpi slt, %add3A_391, %sign3A_448 : i32
      %sign3A_450 = arith.extui %sign3A_449 : i1 to i32
      %sign3A_451 = arith.subi %sign3A_447, %sign3A_450 : i32
      %sign3A_452 = arith.constant 0 : i32
      %sign3A_453 = arith.cmpi sgt, %jit3A_443, %sign3A_452 : i32
      %sign3A_454 = arith.extui %sign3A_453 : i1 to i32
      %sign3A_455 = arith.constant 0 : i32
      %sign3A_456 = arith.cmpi slt, %jit3A_443, %sign3A_455 : i32
      %sign3A_457 = arith.extui %sign3A_456 : i1 to i32
      %sign3A_458 = arith.subi %sign3A_454, %sign3A_457 : i32
      %ne3A_459 = arith.cmpi ne, %sign3A_451, %sign3A_458 : i32
      %rem3A_460 = arith.remsi %add3A_391, %jit3A_443 : i32
      %ne3A_461 = arith.constant 0 : i32
      %ne3A_462 = arith.cmpi ne, %rem3A_460, %ne3A_461 : i32
      %and3A_463 = arith.andi %ne3A_459, %ne3A_462 : i1
      %sub3A_464 = arith.constant 1 : i32
      %sub3A_465 = arith.subi %div3A_444, %sub3A_464 : i32
      %select_n3A_466 = arith.select %and3A_463, %sub3A_465, %div3A_444 : i32
      %broadcast_in_dim3A_467 = vector.broadcast %select_n3A_466 : i32 to vector<16xi32>
      %gather3A_468 = tpu.vector_load_idx %arg9[%broadcast_in_dim3A_467] : memref<64xi32, #tpu.memory_space<vmem>>[vector<16xi32>], vector<16xi32>,
      %sub3A_469 = arith.constant 2 : i32
      %sub3A_470 = vector.broadcast %sub3A_469 : i32 to vector<16xi32>
      %sub3A_471 = arith.subi %gather3A_468, %sub3A_470 : vector<16xi32>
      %sub3A_472 = arith.subi %iota3A, %sub3A_471 : vector<16xi32>
      %lt3A_473 = arith.constant 0 : i32
      %lt3A_474 = vector.broadcast %lt3A_473 : i32 to vector<16xi32>
      %lt3A_475 = arith.cmpi slt, %sub3A_472, %lt3A_474 : vector<16xi32>
      %neg3A_476 = arith.constant 0 : i32
      %neg3A_477 = vector.broadcast %neg3A_476 : i32 to vector<16xi32>
      %neg3A_478 = arith.subi %neg3A_477, %sub3A_472 : vector<16xi32>
      %select_n3A_479 = arith.select %lt3A_475, %neg3A_478, %sub3A_472 : vector<16xi1>, vector<16xi32>
      %gather3A_480 = tpu.vector_load_idx %arg6[%select_n3A_479] : memref<16384xf32, #tpu.memory_space<vmem>>[vector<16xi32>], vector<16xf32>,
      %add3A_481 = arith.constant 16 : i32
      %add3A_482 = vector.broadcast %add3A_481 : i32 to vector<16xi32>
      %add3A_483 = arith.addi %sub3A_472, %add3A_482 : vector<16xi32>
      %gather3A_484 = tpu.vector_load_idx %arg6[%add3A_483] : memref<16384xf32, #tpu.memory_space<vmem>>[vector<16xi32>], vector<16xf32>,
      %add3A_485 = arith.constant 32 : i32
      %add3A_486 = vector.broadcast %add3A_485 : i32 to vector<16xi32>
      %add3A_487 = arith.addi %sub3A_472, %add3A_486 : vector<16xi32>
      %gather3A_488 = tpu.vector_load_idx %arg6[%add3A_487] : memref<16384xf32, #tpu.memory_space<vmem>>[vector<16xi32>], vector<16xf32>,
      %add3A_489 = arith.constant 48 : i32
      %add3A_490 = vector.broadcast %add3A_489 : i32 to vector<16xi32>
      %add3A_491 = arith.addi %sub3A_472, %add3A_490 : vector<16xi32>
      %gather3A_492 = tpu.vector_load_idx %arg6[%add3A_491] : memref<16384xf32, #tpu.memory_space<vmem>>[vector<16xi32>], vector<16xf32>,
      %swap3A_493 = arith.constant 0 : index
      %swap3A_494 = tpu.vector_load %arg8[%swap3A_493] {strides = array<i32>} : memref<16384xf32, #tpu.memory_space<vmem>>, vector<16xf32>,
      tpu.vector_store %arg8[%swap3A_493], %gather3A_480 {strides = array<i32>} : memref<16384xf32, #tpu.memory_space<vmem>>, vector<16xf32>,
      %swap3A_495 = arith.constant 16 : index
      %swap3A_496 = tpu.vector_load %arg8[%swap3A_495] {strides = array<i32>} : memref<16384xf32, #tpu.memory_space<vmem>>, vector<16xf32>,
      tpu.vector_store %arg8[%swap3A_495], %gather3A_484 {strides = array<i32>} : memref<16384xf32, #tpu.memory_space<vmem>>, vector<16xf32>,
      %swap3A_497 = arith.constant 32 : index
      %swap3A_498 = tpu.vector_load %arg8[%swap3A_497] {strides = array<i32>} : memref<16384xf32, #tpu.memory_space<vmem>>, vector<16xf32>,
      tpu.vector_store %arg8[%swap3A_497], %gather3A_488 {strides = array<i32>} : memref<16384xf32, #tpu.memory_space<vmem>>, vector<16xf32>,
      %swap3A_499 = arith.constant 48 : index
      %swap3A_500 = tpu.vector_load %arg8[%swap3A_499] {strides = array<i32>} : memref<16384xf32, #tpu.memory_space<vmem>>, vector<16xf32>,
      tpu.vector_store %arg8[%swap3A_499], %gather3A_492 {strides = array<i32>} : memref<16384xf32, #tpu.memory_space<vmem>>, vector<16xf32>,
      %scan3A_501 = arith.constant 0 : i32
      %scan3A_502 = arith.constant 0 : i32
      %scan3A_503 = arith.constant 127 : i32
      %scan3A_504 = arith.addi %scan3A_502, %scan3A_503 : i32
      %scan3A_505 = arith.constant 1 : i32
      scf.for %scan3A_591 = %scan3A_502 to %scan3A_504 step %scan3A_505  : i32 {
        %mul3A_592 = arith.constant 128 : i32
        %mul3A_593 = arith.muli %scan3A_591, %mul3A_592 : i32
        %add3A_594 = arith.constant 64 : i32
        %add3A_595 = arith.addi %add3A_594, %mul3A_593 : i32
        %add3A_596 = vector.broadcast %add3A_595 : i32 to vector<16xi32>
        %add3A_597 = arith.addi %sub3A_472, %add3A_596 : vector<16xi32>
        %add3A_598 = arith.constant 0 : i32
        %add3A_599 = vector.broadcast %add3A_598 : i32 to vector<16xi32>
        %add3A_600 = arith.addi %add3A_597, %add3A_599 : vector<16xi32>
        %gather3A_601 = tpu.vector_load_idx %arg6[%add3A_600] : memref<16384xf32, #tpu.memory_space<vmem>>[vector<16xi32>], vector<16xf32>,
        %add3A_602 = arith.constant 16 : i32
        %add3A_603 = vector.broadcast %add3A_602 : i32 to vector<16xi32>
        %add3A_604 = arith.addi %add3A_597, %add3A_603 : vector<16xi32>
        %gather3A_605 = tpu.vector_load_idx %arg6[%add3A_604] : memref<16384xf32, #tpu.memory_space<vmem>>[vector<16xi32>], vector<16xf32>,
        %add3A_606 = arith.constant 32 : i32
        %add3A_607 = vector.broadcast %add3A_606 : i32 to vector<16xi32>
        %add3A_608 = arith.addi %add3A_597, %add3A_607 : vector<16xi32>
        %gather3A_609 = tpu.vector_load_idx %arg6[%add3A_608] : memref<16384xf32, #tpu.memory_space<vmem>>[vector<16xi32>], vector<16xf32>,
        %add3A_610 = arith.constant 48 : i32
        %add3A_611 = vector.broadcast %add3A_610 : i32 to vector<16xi32>
        %add3A_612 = arith.addi %add3A_597, %add3A_611 : vector<16xi32>
        %gather3A_613 = tpu.vector_load_idx %arg6[%add3A_612] : memref<16384xf32, #tpu.memory_space<vmem>>[vector<16xi32>], vector<16xf32>,
        %add3A_614 = arith.constant 64 : i32
        %add3A_615 = vector.broadcast %add3A_614 : i32 to vector<16xi32>
        %add3A_616 = arith.addi %add3A_597, %add3A_615 : vector<16xi32>
        %gather3A_617 = tpu.vector_load_idx %arg6[%add3A_616] : memref<16384xf32, #tpu.memory_space<vmem>>[vector<16xi32>], vector<16xf32>,
        %add3A_618 = arith.constant 80 : i32
        %add3A_619 = vector.broadcast %add3A_618 : i32 to vector<16xi32>
        %add3A_620 = arith.addi %add3A_597, %add3A_619 : vector<16xi32>
        %gather3A_621 = tpu.vector_load_idx %arg6[%add3A_620] : memref<16384xf32, #tpu.memory_space<vmem>>[vector<16xi32>], vector<16xf32>,
        %add3A_622 = arith.constant 96 : i32
        %add3A_623 = vector.broadcast %add3A_622 : i32 to vector<16xi32>
        %add3A_624 = arith.addi %add3A_597, %add3A_623 : vector<16xi32>
        %gather3A_625 = tpu.vector_load_idx %arg6[%add3A_624] : memref<16384xf32, #tpu.memory_space<vmem>>[vector<16xi32>], vector<16xf32>,
        %add3A_626 = arith.constant 112 : i32
        %add3A_627 = vector.broadcast %add3A_626 : i32 to vector<16xi32>
        %add3A_628 = arith.addi %add3A_597, %add3A_627 : vector<16xi32>
        %gather3A_629 = tpu.vector_load_idx %arg6[%add3A_628] : memref<16384xf32, #tpu.memory_space<vmem>>[vector<16xi32>], vector<16xf32>,
        %add3A_630 = arith.constant 0 : i32
        %add3A_631 = arith.addi %add3A_595, %add3A_630 : i32
        %swap3A_632 = arith.index_cast %add3A_631 : i32 to index
        %swap3A_633 = tpu.vector_load %arg8[%swap3A_632] {strides = array<i32>} : memref<16384xf32, #tpu.memory_space<vmem>>, vector<16xf32>,
        tpu.vector_store %arg8[%swap3A_632], %gather3A_601 {strides = array<i32>} : memref<16384xf32, #tpu.memory_space<vmem>>, vector<16xf32>,
        %add3A_634 = arith.constant 16 : i32
        %add3A_635 = arith.addi %add3A_595, %add3A_634 : i32
        %swap3A_636 = arith.index_cast %add3A_635 : i32 to index
        %swap3A_637 = tpu.vector_load %arg8[%swap3A_636] {strides = array<i32>} : memref<16384xf32, #tpu.memory_space<vmem>>, vector<16xf32>,
        tpu.vector_store %arg8[%swap3A_636], %gather3A_605 {strides = array<i32>} : memref<16384xf32, #tpu.memory_space<vmem>>, vector<16xf32>,
        %add3A_638 = arith.constant 32 : i32
        %add3A_639 = arith.addi %add3A_595, %add3A_638 : i32
        %swap3A_640 = arith.index_cast %add3A_639 : i32 to index
        %swap3A_641 = tpu.vector_load %arg8[%swap3A_640] {strides = array<i32>} : memref<16384xf32, #tpu.memory_space<vmem>>, vector<16xf32>,
        tpu.vector_store %arg8[%swap3A_640], %gather3A_609 {strides = array<i32>} : memref<16384xf32, #tpu.memory_space<vmem>>, vector<16xf32>,
        %add3A_642 = arith.constant 48 : i32
        %add3A_643 = arith.addi %add3A_595, %add3A_642 : i32
        %swap3A_644 = arith.index_cast %add3A_643 : i32 to index
        %swap3A_645 = tpu.vector_load %arg8[%swap3A_644] {strides = array<i32>} : memref<16384xf32, #tpu.memory_space<vmem>>, vector<16xf32>,
        tpu.vector_store %arg8[%swap3A_644], %gather3A_613 {strides = array<i32>} : memref<16384xf32, #tpu.memory_space<vmem>>, vector<16xf32>,
        %add3A_646 = arith.constant 64 : i32
        %add3A_647 = arith.addi %add3A_595, %add3A_646 : i32
        %swap3A_648 = arith.index_cast %add3A_647 : i32 to index
        %swap3A_649 = tpu.vector_load %arg8[%swap3A_648] {strides = array<i32>} : memref<16384xf32, #tpu.memory_space<vmem>>, vector<16xf32>,
        tpu.vector_store %arg8[%swap3A_648], %gather3A_617 {strides = array<i32>} : memref<16384xf32, #tpu.memory_space<vmem>>, vector<16xf32>,
        %add3A_650 = arith.constant 80 : i32
        %add3A_651 = arith.addi %add3A_595, %add3A_650 : i32
        %swap3A_652 = arith.index_cast %add3A_651 : i32 to index
        %swap3A_653 = tpu.vector_load %arg8[%swap3A_652] {strides = array<i32>} : memref<16384xf32, #tpu.memory_space<vmem>>, vector<16xf32>,
        tpu.vector_store %arg8[%swap3A_652], %gather3A_621 {strides = array<i32>} : memref<16384xf32, #tpu.memory_space<vmem>>, vector<16xf32>,
        %add3A_654 = arith.constant 96 : i32
        %add3A_655 = arith.addi %add3A_595, %add3A_654 : i32
        %swap3A_656 = arith.index_cast %add3A_655 : i32 to index
        %swap3A_657 = tpu.vector_load %arg8[%swap3A_656] {strides = array<i32>} : memref<16384xf32, #tpu.memory_space<vmem>>, vector<16xf32>,
        tpu.vector_store %arg8[%swap3A_656], %gather3A_625 {strides = array<i32>} : memref<16384xf32, #tpu.memory_space<vmem>>, vector<16xf32>,
        %add3A_658 = arith.constant 112 : i32
        %add3A_659 = arith.addi %add3A_595, %add3A_658 : i32
        %swap3A_660 = arith.index_cast %add3A_659 : i32 to index
        %swap3A_661 = tpu.vector_load %arg8[%swap3A_660] {strides = array<i32>} : memref<16384xf32, #tpu.memory_space<vmem>>, vector<16xf32>,
        tpu.vector_store %arg8[%swap3A_660], %gather3A_629 {strides = array<i32>} : memref<16384xf32, #tpu.memory_space<vmem>>, vector<16xf32>,
      }
      %scan3A_506 = arith.constant 127 : i32
      %add3A_507 = arith.constant 16368 : i32
      %add3A_508 = vector.broadcast %add3A_507 : i32 to vector<16xi32>
      %add3A_509 = arith.addi %sub3A_472, %add3A_508 : vector<16xi32>
      %gt3A_510 = arith.constant 16383 : i32
      %gt3A_511 = vector.broadcast %gt3A_510 : i32 to vector<16xi32>
      %gt3A_512 = arith.cmpi sgt, %add3A_509, %gt3A_511 : vector<16xi32>
      %sub3A_513 = arith.constant 32766 : i32
      %sub3A_514 = vector.broadcast %sub3A_513 : i32 to vector<16xi32>
      %sub3A_515 = arith.subi %sub3A_514, %add3A_509 : vector<16xi32>
      %select_n3A_516 = arith.select %gt3A_512, %sub3A_515, %add3A_509 : vector<16xi1>, vector<16xi32>
      %add3A_517 = arith.constant 16320 : i32
      %add3A_518 = vector.broadcast %add3A_517 : i32 to vector<16xi32>
      %add3A_519 = arith.addi %sub3A_472, %add3A_518 : vector<16xi32>
      %gather3A_520 = tpu.vector_load_idx %arg6[%add3A_519] : memref<16384xf32, #tpu.memory_space<vmem>>[vector<16xi32>], vector<16xf32>,
      %add3A_521 = arith.constant 16336 : i32
      %add3A_522 = vector.broadcast %add3A_521 : i32 to vector<16xi32>
      %add3A_523 = arith.addi %sub3A_472, %add3A_522 : vector<16xi32>
      %gather3A_524 = tpu.vector_load_idx %arg6[%add3A_523] : memref<16384xf32, #tpu.memory_space<vmem>>[vector<16xi32>], vector<16xf32>,
      %add3A_525 = arith.constant 16352 : i32
      %add3A_526 = vector.broadcast %add3A_525 : i32 to vector<16xi32>
      %add3A_527 = arith.addi %sub3A_472, %add3A_526 : vector<16xi32>
      %gather3A_528 = tpu.vector_load_idx %arg6[%add3A_527] : memref<16384xf32, #tpu.memory_space<vmem>>[vector<16xi32>], vector<16xf32>,
      %gather3A_529 = tpu.vector_load_idx %arg6[%select_n3A_516] : memref<16384xf32, #tpu.memory_space<vmem>>[vector<16xi32>], vector<16xf32>,
      %swap3A_530 = arith.constant 16320 : index
      %swap3A_531 = tpu.vector_load %arg8[%swap3A_530] {strides = array<i32>} : memref<16384xf32, #tpu.memory_space<vmem>>, vector<16xf32>,
      tpu.vector_store %arg8[%swap3A_530], %gather3A_520 {strides = array<i32>} : memref<16384xf32, #tpu.memory_space<vmem>>, vector<16xf32>,
      %swap3A_532 = arith.constant 16336 : index
      %swap3A_533 = tpu.vector_load %arg8[%swap3A_532] {strides = array<i32>} : memref<16384xf32, #tpu.memory_space<vmem>>, vector<16xf32>,
      tpu.vector_store %arg8[%swap3A_532], %gather3A_524 {strides = array<i32>} : memref<16384xf32, #tpu.memory_space<vmem>>, vector<16xf32>,
      %swap3A_534 = arith.constant 16352 : index
      %swap3A_535 = tpu.vector_load %arg8[%swap3A_534] {strides = array<i32>} : memref<16384xf32, #tpu.memory_space<vmem>>, vector<16xf32>,
      tpu.vector_store %arg8[%swap3A_534], %gather3A_528 {strides = array<i32>} : memref<16384xf32, #tpu.memory_space<vmem>>, vector<16xf32>,
      %swap3A_536 = arith.constant 16368 : index
      %swap3A_537 = tpu.vector_load %arg8[%swap3A_536] {strides = array<i32>} : memref<16384xf32, #tpu.memory_space<vmem>>, vector<16xf32>,
      tpu.vector_store %arg8[%swap3A_536], %gather3A_529 {strides = array<i32>} : memref<16384xf32, #tpu.memory_space<vmem>>, vector<16xf32>,
      %jit3A_538 = arith.constant 64 : i32
      %div3A_539 = arith.divsi %add3A_391, %jit3A_538 : i32
      %sign3A_540 = arith.constant 0 : i32
      %sign3A_541 = arith.cmpi sgt, %add3A_391, %sign3A_540 : i32
      %sign3A_542 = arith.extui %sign3A_541 : i1 to i32
      %sign3A_543 = arith.constant 0 : i32
      %sign3A_544 = arith.cmpi slt, %add3A_391, %sign3A_543 : i32
      %sign3A_545 = arith.extui %sign3A_544 : i1 to i32
      %sign3A_546 = arith.subi %sign3A_542, %sign3A_545 : i32
      %sign3A_547 = arith.constant 0 : i32
      %sign3A_548 = arith.cmpi sgt, %jit3A_538, %sign3A_547 : i32
      %sign3A_549 = arith.extui %sign3A_548 : i1 to i32
      %sign3A_550 = arith.constant 0 : i32
      %sign3A_551 = arith.cmpi slt, %jit3A_538, %sign3A_550 : i32
      %sign3A_552 = arith.extui %sign3A_551 : i1 to i32
      %sign3A_553 = arith.subi %sign3A_549, %sign3A_552 : i32
      %ne3A_554 = arith.cmpi ne, %sign3A_546, %sign3A_553 : i32
      %rem3A_555 = arith.remsi %add3A_391, %jit3A_538 : i32
      %ne3A_556 = arith.constant 0 : i32
      %ne3A_557 = arith.cmpi ne, %rem3A_555, %ne3A_556 : i32
      %and3A_558 = arith.andi %ne3A_554, %ne3A_557 : i1
      %sub3A_559 = arith.constant 1 : i32
      %sub3A_560 = arith.subi %div3A_539, %sub3A_559 : i32
      %select_n3A_561 = arith.select %and3A_558, %sub3A_560, %div3A_539 : i32
      %jit3A_562 = arith.constant 64 : i32
      %eq3A_563 = arith.constant 0 : i32
      %eq3A_564 = arith.cmpi eq, %jit3A_562, %eq3A_563 : i32
      %jit3A_565 = arith.constant 1 : i32
      %select_n3A_566 = arith.select %eq3A_564, %jit3A_565, %jit3A_562 : i32
      %rem3A_567 = arith.remsi %add3A_391, %select_n3A_566 : i32
      %ne3A_568 = arith.constant 0 : i32
      %ne3A_569 = arith.cmpi ne, %rem3A_567, %ne3A_568 : i32
      %lt3A_570 = arith.constant 0 : i32
      %lt3A_571 = arith.cmpi slt, %rem3A_567, %lt3A_570 : i32
      %lt3A_572 = arith.constant 0 : i32
      %lt3A_573 = arith.cmpi slt, %select_n3A_566, %lt3A_572 : i32
      %ne3A_574 = arith.xori %lt3A_571, %lt3A_573 : i1
      %and3A_575 = arith.andi %ne3A_574, %ne3A_569 : i1
      %add3A_576 = arith.addi %rem3A_567, %select_n3A_566 : i32
      %select_n3A_577 = arith.select %and3A_575, %add3A_576, %rem3A_567 : i32
      %dma_start3A_578 = arith.constant 0 : i32
      %dma_start3A_579 = tpu.memref_slice %arg4[%select_n3A_561, %select_n3A_577, %dma_start3A_578] : memref<64x64x16384xf32, #tpu.memory_space<hbm>> -> memref<1x1x16384xf32, #tpu.memory_space<hbm>>
      %dma_start3A_580 = tpu.memref_squeeze %dma_start3A_579 : memref<1x1x16384xf32, #tpu.memory_space<hbm>> -> memref<16384xf32, #tpu.memory_space<hbm>>
      %dma_start3A_581 = arith.constant 0 : i32
      %dma_start3A_582 = tpu.memref_slice %arg4[%select_n3A_561, %select_n3A_577, %dma_start3A_581] : memref<64x64x16384xf32, #tpu.memory_space<hbm>> -> memref<1x1x16384xf32, #tpu.memory_space<hbm>>
      %dma_start3A_583 = tpu.memref_squeeze %dma_start3A_582 : memref<1x1x16384xf32, #tpu.memory_space<hbm>> -> memref<16384xf32, #tpu.memory_space<hbm>>
      tpu.enqueue_dma source(%arg8 : memref<16384xf32, #tpu.memory_space<vmem>>) target(%dma_start3A_583 : memref<16384xf32, #tpu.memory_space<hbm>>) target_semaphore(%arg13 : memref<!tpu.dma_semaphore, #tpu.memory_space<semaphore_mem>>)
      %add3A_584 = arith.constant 2 : i32
      %add3A_585 = arith.addi %add3A_390, %add3A_584 : i32
      %lt3A_586 = arith.constant 128 : i32
      %lt3A_587 = arith.cmpi slt, %add3A_585, %lt3A_586 : i32
      %convert_element_type3A_588 = arith.extui %lt3A_587 : i1 to i32
      %cond3A_589 = arith.constant 0 : i32
      %cond3A_590 = arith.cmpi ne, %convert_element_type3A_588, %cond3A_589 : i32
      scf.if %cond3A_590 {
        %add3A_591 = arith.constant 2 : i32
        %add3A_592 = arith.addi %add3A_391, %add3A_591 : i32
        %jit3A_593 = arith.constant 64 : i32
        %div3A_594 = arith.divsi %add3A_592, %jit3A_593 : i32
        %sign3A_595 = arith.constant 0 : i32
        %sign3A_596 = arith.cmpi sgt, %add3A_592, %sign3A_595 : i32
        %sign3A_597 = arith.extui %sign3A_596 : i1 to i32
        %sign3A_598 = arith.constant 0 : i32
        %sign3A_599 = arith.cmpi slt, %add3A_592, %sign3A_598 : i32
        %sign3A_600 = arith.extui %sign3A_599 : i1 to i32
        %sign3A_601 = arith.subi %sign3A_597, %sign3A_600 : i32
        %sign3A_602 = arith.constant 0 : i32
        %sign3A_603 = arith.cmpi sgt, %jit3A_593, %sign3A_602 : i32
        %sign3A_604 = arith.extui %sign3A_603 : i1 to i32
        %sign3A_605 = arith.constant 0 : i32
        %sign3A_606 = arith.cmpi slt, %jit3A_593, %sign3A_605 : i32
        %sign3A_607 = arith.extui %sign3A_606 : i1 to i32
        %sign3A_608 = arith.subi %sign3A_604, %sign3A_607 : i32
        %ne3A_609 = arith.cmpi ne, %sign3A_601, %sign3A_608 : i32
        %rem3A_610 = arith.remsi %add3A_592, %jit3A_593 : i32
        %ne3A_611 = arith.constant 0 : i32
        %ne3A_612 = arith.cmpi ne, %rem3A_610, %ne3A_611 : i32
        %and3A_613 = arith.andi %ne3A_609, %ne3A_612 : i1
        %sub3A_614 = arith.constant 1 : i32
        %sub3A_615 = arith.subi %div3A_594, %sub3A_614 : i32
        %select_n3A_616 = arith.select %and3A_613, %sub3A_615, %div3A_594 : i32
        %jit3A_617 = arith.constant 64 : i32
        %eq3A_618 = arith.constant 0 : i32
        %eq3A_619 = arith.cmpi eq, %jit3A_617, %eq3A_618 : i32
        %jit3A_620 = arith.constant 1 : i32
        %select_n3A_621 = arith.select %eq3A_619, %jit3A_620, %jit3A_617 : i32
        %rem3A_622 = arith.remsi %add3A_592, %select_n3A_621 : i32
        %ne3A_623 = arith.constant 0 : i32
        %ne3A_624 = arith.cmpi ne, %rem3A_622, %ne3A_623 : i32
        %lt3A_625 = arith.constant 0 : i32
        %lt3A_626 = arith.cmpi slt, %rem3A_622, %lt3A_625 : i32
        %lt3A_627 = arith.constant 0 : i32
        %lt3A_628 = arith.cmpi slt, %select_n3A_621, %lt3A_627 : i32
        %ne3A_629 = arith.xori %lt3A_626, %lt3A_628 : i1
        %and3A_630 = arith.andi %ne3A_629, %ne3A_624 : i1
        %add3A_631 = arith.addi %rem3A_622, %select_n3A_621 : i32
        %select_n3A_632 = arith.select %and3A_630, %add3A_631, %rem3A_622 : i32
        %dma_start3A_633 = arith.constant 0 : i32
        %dma_start3A_634 = tpu.memref_slice %arg2[%select_n3A_616, %select_n3A_632, %dma_start3A_633] : memref<64x64x16384xf32, #tpu.memory_space<hbm>> -> memref<1x1x16384xf32, #tpu.memory_space<hbm>>
        %dma_start3A_635 = tpu.memref_squeeze %dma_start3A_634 : memref<1x1x16384xf32, #tpu.memory_space<hbm>> -> memref<16384xf32, #tpu.memory_space<hbm>>
        %dma_start3A_636 = arith.constant 0 : i32
        %dma_start3A_637 = tpu.memref_slice %arg2[%select_n3A_616, %select_n3A_632, %dma_start3A_636] : memref<64x64x16384xf32, #tpu.memory_space<hbm>> -> memref<1x1x16384xf32, #tpu.memory_space<hbm>>
        %dma_start3A_638 = tpu.memref_squeeze %dma_start3A_637 : memref<1x1x16384xf32, #tpu.memory_space<hbm>> -> memref<16384xf32, #tpu.memory_space<hbm>>
        tpu.enqueue_dma source(%dma_start3A_638 : memref<16384xf32, #tpu.memory_space<hbm>>) target(%arg6 : memref<16384xf32, #tpu.memory_space<vmem>>) target_semaphore(%arg11 : memref<!tpu.dma_semaphore, #tpu.memory_space<semaphore_mem>>)
      } else {
      }
    }
    %scan3A_90 = arith.constant 64 : i32
    %add3A_91 = arith.constant 128 : i32
    %add3A_92 = arith.addi %mul3A_2, %add3A_91 : i32
    %sub3A_93 = arith.constant 2 : i32
    %sub3A_94 = arith.subi %add3A_92, %sub3A_93 : i32
    %jit3A_95 = arith.constant 64 : i32
    %div3A_96 = arith.divsi %sub3A_94, %jit3A_95 : i32
    %sign3A_97 = arith.constant 0 : i32
    %sign3A_98 = arith.cmpi sgt, %sub3A_94, %sign3A_97 : i32
    %sign3A_99 = arith.extui %sign3A_98 : i1 to i32
    %sign3A_100 = arith.constant 0 : i32
    %sign3A_101 = arith.cmpi slt, %sub3A_94, %sign3A_100 : i32
    %sign3A_102 = arith.extui %sign3A_101 : i1 to i32
    %sign3A_103 = arith.subi %sign3A_99, %sign3A_102 : i32
    %sign3A_104 = arith.constant 0 : i32
    %sign3A_105 = arith.cmpi sgt, %jit3A_95, %sign3A_104 : i32
    %sign3A_106 = arith.extui %sign3A_105 : i1 to i32
    %sign3A_107 = arith.constant 0 : i32
    %sign3A_108 = arith.cmpi slt, %jit3A_95, %sign3A_107 : i32
    %sign3A_109 = arith.extui %sign3A_108 : i1 to i32
    %sign3A_110 = arith.subi %sign3A_106, %sign3A_109 : i32
    %ne3A_111 = arith.cmpi ne, %sign3A_103, %sign3A_110 : i32
    %rem3A_112 = arith.remsi %sub3A_94, %jit3A_95 : i32
    %ne3A_113 = arith.constant 0 : i32
    %ne3A_114 = arith.cmpi ne, %rem3A_112, %ne3A_113 : i32
    %and3A_115 = arith.andi %ne3A_111, %ne3A_114 : i1
    %sub3A_116 = arith.constant 1 : i32
    %sub3A_117 = arith.subi %div3A_96, %sub3A_116 : i32
    %select_n3A_118 = arith.select %and3A_115, %sub3A_117, %div3A_96 : i32
    %jit3A_119 = arith.constant 64 : i32
    %eq3A_120 = arith.constant 0 : i32
    %eq3A_121 = arith.cmpi eq, %jit3A_119, %eq3A_120 : i32
    %jit3A_122 = arith.constant 1 : i32
    %select_n3A_123 = arith.select %eq3A_121, %jit3A_122, %jit3A_119 : i32
    %rem3A_124 = arith.remsi %sub3A_94, %select_n3A_123 : i32
    %ne3A_125 = arith.constant 0 : i32
    %ne3A_126 = arith.cmpi ne, %rem3A_124, %ne3A_125 : i32
    %lt3A_127 = arith.constant 0 : i32
    %lt3A_128 = arith.cmpi slt, %rem3A_124, %lt3A_127 : i32
    %lt3A_129 = arith.constant 0 : i32
    %lt3A_130 = arith.cmpi slt, %select_n3A_123, %lt3A_129 : i32
    %ne3A_131 = arith.xori %lt3A_128, %lt3A_130 : i1
    %and3A_132 = arith.andi %ne3A_131, %ne3A_126 : i1
    %add3A_133 = arith.addi %rem3A_124, %select_n3A_123 : i32
    %select_n3A_134 = arith.select %and3A_132, %add3A_133, %rem3A_124 : i32
    %dma_wait3A = arith.constant 0 : i32
    %dma_wait3A_135 = tpu.memref_slice %arg4[%select_n3A_118, %select_n3A_134, %dma_wait3A] : memref<64x64x16384xf32, #tpu.memory_space<hbm>> -> memref<1x1x16384xf32, #tpu.memory_space<hbm>>
    %dma_wait3A_136 = tpu.memref_squeeze %dma_wait3A_135 : memref<1x1x16384xf32, #tpu.memory_space<hbm>> -> memref<16384xf32, #tpu.memory_space<hbm>>
    %dma_wait3A_137 = arith.constant 0 : i32
    %dma_wait3A_138 = tpu.memref_slice %arg4[%select_n3A_118, %select_n3A_134, %dma_wait3A_137] : memref<64x64x16384xf32, #tpu.memory_space<hbm>> -> memref<1x1x16384xf32, #tpu.memory_space<hbm>>
    %dma_wait3A_139 = tpu.memref_squeeze %dma_wait3A_138 : memref<1x1x16384xf32, #tpu.memory_space<hbm>> -> memref<16384xf32, #tpu.memory_space<hbm>>
    tpu.wait_dma2 semaphore(%arg12 : memref<!tpu.dma_semaphore, #tpu.memory_space<semaphore_mem>>) src(%arg7 : memref<16384xf32, #tpu.memory_space<vmem>>) dst(%dma_wait3A_139 : memref<16384xf32, #tpu.memory_space<hbm>>)
    %add3A_140 = arith.constant 128 : i32
    %add3A_141 = arith.addi %mul3A_2, %add3A_140 : i32
    %sub3A_142 = arith.constant 1 : i32
    %sub3A_143 = arith.subi %add3A_141, %sub3A_142 : i32
    %jit3A_144 = arith.constant 64 : i32
    %div3A_145 = arith.divsi %sub3A_143, %jit3A_144 : i32
    %sign3A_146 = arith.constant 0 : i32
    %sign3A_147 = arith.cmpi sgt, %sub3A_143, %sign3A_146 : i32
    %sign3A_148 = arith.extui %sign3A_147 : i1 to i32
    %sign3A_149 = arith.constant 0 : i32
    %sign3A_150 = arith.cmpi slt, %sub3A_143, %sign3A_149 : i32
    %sign3A_151 = arith.extui %sign3A_150 : i1 to i32
    %sign3A_152 = arith.subi %sign3A_148, %sign3A_151 : i32
    %sign3A_153 = arith.constant 0 : i32
    %sign3A_154 = arith.cmpi sgt, %jit3A_144, %sign3A_153 : i32
    %sign3A_155 = arith.extui %sign3A_154 : i1 to i32
    %sign3A_156 = arith.constant 0 : i32
    %sign3A_157 = arith.cmpi slt, %jit3A_144, %sign3A_156 : i32
    %sign3A_158 = arith.extui %sign3A_157 : i1 to i32
    %sign3A_159 = arith.subi %sign3A_155, %sign3A_158 : i32
    %ne3A_160 = arith.cmpi ne, %sign3A_152, %sign3A_159 : i32
    %rem3A_161 = arith.remsi %sub3A_143, %jit3A_144 : i32
    %ne3A_162 = arith.constant 0 : i32
    %ne3A_163 = arith.cmpi ne, %rem3A_161, %ne3A_162 : i32
    %and3A_164 = arith.andi %ne3A_160, %ne3A_163 : i1
    %sub3A_165 = arith.constant 1 : i32
    %sub3A_166 = arith.subi %div3A_145, %sub3A_165 : i32
    %select_n3A_167 = arith.select %and3A_164, %sub3A_166, %div3A_145 : i32
    %jit3A_168 = arith.constant 64 : i32
    %eq3A_169 = arith.constant 0 : i32
    %eq3A_170 = arith.cmpi eq, %jit3A_168, %eq3A_169 : i32
    %jit3A_171 = arith.constant 1 : i32
    %select_n3A_172 = arith.select %eq3A_170, %jit3A_171, %jit3A_168 : i32
    %rem3A_173 = arith.remsi %sub3A_143, %select_n3A_172 : i32
    %ne3A_174 = arith.constant 0 : i32
    %ne3A_175 = arith.cmpi ne, %rem3A_173, %ne3A_174 : i32
    %lt3A_176 = arith.constant 0 : i32
    %lt3A_177 = arith.cmpi slt, %rem3A_173, %lt3A_176 : i32
    %lt3A_178 = arith.constant 0 : i32
    %lt3A_179 = arith.cmpi slt, %select_n3A_172, %lt3A_178 : i32
    %ne3A_180 = arith.xori %lt3A_177, %lt3A_179 : i1
    %and3A_181 = arith.andi %ne3A_180, %ne3A_175 : i1
    %add3A_182 = arith.addi %rem3A_173, %select_n3A_172 : i32
    %select_n3A_183 = arith.select %and3A_181, %add3A_182, %rem3A_173 : i32
    %dma_wait3A_184 = arith.constant 0 : i32
    %dma_wait3A_185 = tpu.memref_slice %arg4[%select_n3A_167, %select_n3A_183, %dma_wait3A_184] : memref<64x64x16384xf32, #tpu.memory_space<hbm>> -> memref<1x1x16384xf32, #tpu.memory_space<hbm>>
    %dma_wait3A_186 = tpu.memref_squeeze %dma_wait3A_185 : memref<1x1x16384xf32, #tpu.memory_space<hbm>> -> memref<16384xf32, #tpu.memory_space<hbm>>
    %dma_wait3A_187 = arith.constant 0 : i32
    %dma_wait3A_188 = tpu.memref_slice %arg4[%select_n3A_167, %select_n3A_183, %dma_wait3A_187] : memref<64x64x16384xf32, #tpu.memory_space<hbm>> -> memref<1x1x16384xf32, #tpu.memory_space<hbm>>
    %dma_wait3A_189 = tpu.memref_squeeze %dma_wait3A_188 : memref<1x1x16384xf32, #tpu.memory_space<hbm>> -> memref<16384xf32, #tpu.memory_space<hbm>>
    tpu.wait_dma2 semaphore(%arg13 : memref<!tpu.dma_semaphore, #tpu.memory_space<semaphore_mem>>) src(%arg8 : memref<16384xf32, #tpu.memory_space<vmem>>) dst(%dma_wait3A_189 : memref<16384xf32, #tpu.memory_space<hbm>>)
    return
  }
}

</mosaic_0001>

<sc_bundles>
// kernel: kernel.3.cloned.1.call-start
scs
__scs_entry_jumppad:
0x0: {  	(pc) =	sbr.rel $0x88, $3  }
0x1: {  	(tag) =	ssettag $0x0;
	lr =	simm.s32 $0x1  }
0x2: {  	[smem:$0x3F9F] =	sst lr;
	_ =	strace $0xD0000000  }
0x3: {  	_ = 	snop  }
0x4: {  	_ = 	snop  }
0x5: {  	_ = 	snop  }
0x6: {  	_ = 	snop  }
0x7: {  	_ = 	snop  }
__scs_overlays_trampoline_lowered:
0x8: {  	[smem:$0x3FAE] =	sst s0  }
0x9: {  	[smem:$0x3FAF] =	sst s1  }
0xa: {  	[smem:$0x3FB0] =	sst s2  }
0xb: {  	[smem:$0x3FB1] =	sst s3  }
0xc: {  	[smem:$0x3FB2] =	sst s4  }
0xd: {  	[smem:$0x3FB3] =	sst s5  }
0xe: {  	[smem:$0x3FB4] =	sst s6  }
0xf: {  	[smem:$0x3FB5] =	sst s7  }
0x10: {  	[smem:$0x3FB6] =	sst s8  }
0x11: {  	[smem:$0x3FB7] =	sst s9;
	s0 =	simm.s32 @!p0 $0x0  }
0x12: {  	s1 =	sld [smem:$0x3F9D];
	s0 =	simm.s32 @p0 $0x1  }
0x13: {  	[smem:$0x3FB8] =	sst s0;
	s0 =	simm.s32 @!p1 $0x0  }
0x14: {  	s2 =	sld [smem:$0x3F9C];
	s0 =	simm.s32 @p1 $0x1  }
0x15: {  	[smem:$0x3FB9] =	sst s0;
	s0 =	simm.s32 @!p2 $0x0  }
0x16: {  	s3 =	sld [smem:$0x3FDB];
	s0 =	simm.s32 @p2 $0x1  }
0x17: {  	s4 =	simm.s32 $0x1BF5;
	[smem:$0x3FBB] =	sst s0  }
0x18: {  	s0 =	sld [smem:$0x3F9E];
	_ =	swait.ge [sflag:s4], $0x0  }
0x19: {  	s7 =	sld [smem:$0x3F9F]  }
0x1a: {  	s8 =	sadd.s32 $0xFFFFE003, lr  }
0x1b: {  	s9 =	sadd.s32 $0xFFFFFEF7, lr;
	s5 =	simm.s32 $0xFFFFFFFF;
	p2 =	slt.u32 s8, $0xFFFFF086  }
0x1c: {  	p1 =	slt.u32 s9, $0xF7A;
	s5 =	simm.s32 @!p2 $0x0  }
0x1d: {  	s5 =	simm.s32 @p1 $0x1;
	p0 =	seq.s32 s7, s2  }
0x1e: {  	s7 =	smul.u32 @!p0 $0xF7A, s2;
	p2 =	seq.s32 @!p0 s5, $0x0  }
0x1f: {  	s9 =	smul.u32 $0xF7A, s1;
	s8 =	simm.s32 @!p0 $0x1BF5;
	p2 =	por !p2, p0  }
0x20: {  	[sflag:s8] =	ssyncset.s32 @!p0 $0xFFFFF086;
	s6 =	sadd.s32 @!p0 s3, s7;
	s7 =	simm.s32 @!p0 $0x108  }
0x21: {  	s3 =	sadd.s32 s3, s9;
	s6 =	sadd.s32 @!p0 $0x88, s6;
	s7 =	simm.s32 @p2 $0x1082  }
0x22: {  	[simem:s7], [sflag:s8] =	dma.local @!p0 [hbm:s6], $0xF7A  }
0x23: {  	s9 =	sor.u32 $0xD0000000, s2;
	s6 =	simm.s32 $0x108;
	_ =	swait.ge @!p0 [sflag:s8], $0x0  }
0x24: {  	s3 =	sadd.s32 $0x88, s3;
	s6 =	simm.s32 @!p1 $0x1082;
	[sflag:s4] =	ssyncset.s32 $0xFFFFF086  }
0x25: {  	[simem:s6], [sflag:s4] =	dma.local [hbm:s3], $0xF7A  }
0x26: {  	[smem:$0x3F9F] =	sst s1;
	(tag) =	ssettag s2;
	_ =	strace s9  }
0x27: {  	s1 =	sld [smem:$0x3FAF]  }
0x28: {  	s2 =	sld [smem:$0x3FB0]  }
0x29: {  	s4 =	sld [smem:$0x3FB2]  }
0x2a: {  	p0 =	seq.s32 s5, $0x0;
	s5 =	sld [smem:$0x3FB3]  }
0x2b: {  	s6 =	sld [smem:$0x3FB4]  }
0x2c: {  	s7 =	sld [smem:$0x3FB5]  }
0x2d: {  	s3 =	simm.s32 $0x108;
	s8 =	sld [smem:$0x3FB6]  }
0x2e: {  	s3 =	simm.s32 @!p0 $0x1082;
	s9 =	sld [smem:$0x3FB7]  }
0x2f: {  	lr =	sadd.s32 s0, s3;
	s0 =	sld [smem:$0x3FAE]  }
0x30: {  	s3 =	sld [smem:$0x3FB1]  }
0x31: {  	[smem:$0x3FBA] =	sst s10  }
0x32: {  	s10 =	sld [smem:$0x3FB8];
	_ =	sdelay $0x3  }
0x33: {  	p0 =	seq.s32 s10, $0x1;
	s10 =	sld [smem:$0x3FBA];
	_ =	sdelay $0x3  }
0x34: {  	[smem:$0x3FBA] =	sst s10  }
0x35: {  	s10 =	sld [smem:$0x3FB9];
	_ =	sdelay $0x3  }
0x36: {  	p1 =	seq.s32 s10, $0x1;
	s10 =	sld [smem:$0x3FBA];
	_ =	sdelay $0x3  }
0x37: {  	[smem:$0x3FBA] =	sst s10  }
0x38: {  	s10 =	sld [smem:$0x3FBB]  }
0x39: {  	_ = 	snop;
	(pc) =	sbr.ind lr, $3  }
0x3a: {  	_ = 	snop  }
0x3b: {  	_ = 	snop  }
0x3c: {  	p2 =	seq.s32 s10, $0x1;
	s10 =	sld [smem:$0x3FBA]  }
0x3d: {  	_ =	shalt  }
0x3e: {  	_ =	shalt  }
0x3f: {  	_ =	shalt  }
0x40: {  	_ =	shalt  }
0x41: {  	_ =	shalt  }
0x42: {  	_ =	shalt  }
0x43: {  	_ =	shalt  }
0x44: {  	_ =	shalt  }
0x45: {  	_ =	shalt  }
0x46: {  	_ =	shalt  }
0x47: {  	_ =	shalt  }
0x48: {  	_ =	shalt  }
0x49: {  	_ =	shalt  }
0x4a: {  	_ =	shalt  }
0x4b: {  	_ =	shalt  }
0x4c: {  	_ =	shalt  }
0x4d: {  	_ =	shalt  }
0x4e: {  	_ =	shalt  }
0x4f: {  	_ =	shalt  }
0x50: {  	_ =	shalt  }
0x51: {  	_ =	shalt  }
0x52: {  	_ =	shalt  }
0x53: {  	_ =	shalt  }
0x54: {  	_ =	shalt  }
0x55: {  	_ =	shalt  }
0x56: {  	_ =	shalt  }
0x57: {  	_ =	shalt  }
0x58: {  	_ =	shalt  }
0x59: {  	_ =	shalt  }
0x5a: {  	_ =	shalt  }
0x5b: {  	_ =	shalt  }
0x5c: {  	_ =	shalt  }
0x5d: {  	_ =	shalt  }
0x5e: {  	_ =	shalt  }
0x5f: {  	_ =	shalt  }
0x60: {  	_ =	shalt  }
0x61: {  	_ =	shalt  }
0x62: {  	_ =	shalt  }
0x63: {  	_ =	shalt  }
0x64: {  	_ =	shalt  }
0x65: {  	_ =	shalt  }
0x66: {  	_ =	shalt  }
0x67: {  	_ =	shalt  }
0x68: {  	_ =	shalt  }
0x69: {  	_ =	shalt  }
0x6a: {  	_ =	shalt  }
0x6b: {  	_ =	shalt  }
0x6c: {  	_ =	shalt  }
0x6d: {  	_ =	shalt  }
0x6e: {  	_ =	shalt  }
0x6f: {  	_ =	shalt  }
0x70: {  	_ =	shalt  }
0x71: {  	_ =	shalt  }
0x72: {  	_ =	shalt  }
0x73: {  	_ =	shalt  }
0x74: {  	_ =	shalt  }
0x75: {  	_ =	shalt  }
0x76: {  	_ =	shalt  }
0x77: {  	_ =	shalt  }
0x78: {  	_ =	shalt  }
0x79: {  	_ =	shalt  }
0x7a: {  	_ =	shalt  }
0x7b: {  	_ =	shalt  }
0x7c: {  	_ =	shalt  }
0x7d: {  	_ =	shalt  }
0x7e: {  	_ =	shalt  }
0x7f: {  	_ =	shalt  }
0x80: {  	_ =	shalt  }
0x81: {  	_ =	shalt  }
0x82: {  	_ =	shalt  }
0x83: {  	_ =	shalt  }
0x84: {  	_ =	shalt  }
0x85: {  	_ =	shalt  }
0x86: {  	_ =	shalt  }
0x87: {  	_ =	shalt  }
.Lfunc_end0:
.L_simem_size_0:
called_computation_lowered:
.L_overlay_start_0:
0x88: {  	s2 =	sld [smem:$0x3FD9]  }
0x89: {  	s3 =	sld [smem:$0x3FFE];
	_ =	sdelay $0x1  }
0x8a: {  	s1 =	srdreg.scid  }
0x8b: {  	s0 =	sand.u32 $0x1, s1  }
0x8c: {  	s18 =	sshll.u32 s0, $0xA;
	s2 =	sadd.s32 s3, s2  }
0x8d: {  	s2 =	sadd.s32 s2, s18  }
0x8e: {  	[smem:$0x3FC6] =	sst s2  }
0x8f: {  	_ = 	snop  }
0x90: {  	s2 =	sld [smem:$0x3FC9]  }
0x91: {  	s19 =	sld [smem:$0x3FC8]  }
0x92: {  	s4 =	sld [smem:$0x3FD0];
	(tm) =	ssettm $0x1  }
0x93: {  	s5 =	sld [smem:$0x3FFB];
	_ =	sdelay $0x3  }
0x94: {  	_ =	strace s5  }
0x95: {  	s5 =	sld [smem:$0x3FFC];
	_ =	sdelay $0x3  }
0x96: {  	_ =	strace s5  }
0x97: {  	s5 =	sld [smem:$0x3FFD];
	_ =	sdelay $0x3  }
0x98: {  	_ =	strace s5  }
0x99: {  	_ =	strace $0x8FFFFFFF  }
0x9a: {  	s20 =	sld [smem:$0x3FDB];
	_ =	sdelay $0x1  }
0x9b: {  	s6 =	simm.s32 $_scs_section_size  }
0x9c: {  	s7 =	simm.s32 $_size__tile_overlayer_lowered;
	s8 =	simm.s32 $_tile_overlayer_lowered  }
0x9d: {  	s23 =	simm.s32 $0x1BFF;
	s22 =	sshll.u32 s8, $0x1;
	s5 =	sadd.s32 s6, s20  }
0x9e: {  	s9 =	simm.s32 $0x0;
	s21 =	sshll.u32 s7, $0x1;
	s7 =	sadd.s32 s22, s5  }
0x9f: {  	[timem:s9], [sflag:s23] =	dma.local [hbm:s7], s21  }
0xa0: {  	_ =	swait.ge [sflag:s23], s21  }
0xa1: {  	s6 =	ssub.s32 $0x0, s21;
	[sflag:s23] =	ssyncset.done $0x0  }
0xa2: {  	[sflag:s23] =	ssyncadd.s32 s6;
	_ =	sdelay $0x1  }
0xa3: {  	s24 =	simm.s32 $0x1B8B  }
0xa4: {  	_ =	swait.ge [sflag:s24], $0x1  }
0xa5: {  	[sflag:s24] =	ssyncset.done $0x0  }
0xa6: {  	s25 =	simm.s32 $0x1B8E;
	[sflag:s24] =	ssyncadd.s32 $0xFFFFFFFF  }
0xa7: {  	s26 =	simm.s32 $execute0_lowered;
	[smem:$0x3FD2] =	sst s25  }
0xa8: {  	s6 =	sshll.u32 s26, $0x1;
	_ =	strace $0x80000046;
	[dreg:$0x1] =	wrdreg $0xFFFFFFFF  }
0xa9: {  	s28 =	simm.s32 $_size_execute0_lowered;
	s5 =	sadd.s32 s5, s6;
	[dreg:$0x0] =	wrdreg $0x0  }
0xaa: {  	s6 =	sshll.u32 s28, $0x1;
	[dreg:$0x2] =	wrdreg s5  }
0xab: {  	[dreg:$0x3] =	wrdreg s6  }
0xac: {  	[dreg:$0x4] =	wrdreg $0xC0  }
0xad: {  	_ =	task [dreg:s9], $0x5FFFF  }
0xae: {  	[dreg:$0x1] =	wrdreg $0xFFFFFFFF  }
0xaf: {  	[dreg:$0x0] =	wrdreg $0x60  }
0xb0: {  	[dreg:$0x2] =	wrdreg s2  }
0xb1: {  	[dreg:$0x3] =	wrdreg s19  }
0xb2: {  	[dreg:$0x4] =	wrdreg s4  }
0xb3: {  	[dreg:$0x5] =	wrdreg $0x9  }
0xb4: {  	_ =	task.clear_ibuf [dreg:s9], $0x6FFFF;
	_ =	strace $0x90000046  }
0xb5: {  	s29 =	simm.s32 $0x9;
	_ =	strace $0x80000048  }
0xb6: {  	_ =	swait.ge [sflag:s29], $0x1  }
0xb7: {  	[sflag:s29] =	ssyncadd.s32 $0xFFFFFFFF  }
0xb8: {  	_ =	strace $0x90000048  }
0xb9: {  	_ =	sfence  }
0xba: {  	s30 =	sld [smem:$0x0];
	_ =	sdelay $0x2  }
0xbb: {  	s31 =	sshll.u32 s1, $0xD;
	s1 =	sshrl.u32 s1, $0x2  }
0xbc: {  	s3 =	sand.u32 $0x4000, s31;
	s1 =	sadd.s32 s1, s30  }
0xbd: {  	s0 =	sor.u32 s3, s0;
	s1 =	sshll.u32 s1, $0x11  }
0xbe: {  	s0 =	sor.u32 s1, s0  }
0xbf: {  	s0 =	sadd.s32 $0x8F2B, s0  }
0xc0: {  	[sflag:s0] =	ssyncadd.remote.s32 $0x1  }
0xc1: {  	_ =	sfence.sel $0xFFFF  }
0xc2: {  	[dreg:$0x0] =	wrdreg $0xFFFFFFFF;
	(pc) =	sbr.abs _section_cstart, $3  }
0xc3: {  	[dreg:$0x1] =	wrdreg $0xFFFFFFFF  }
0xc4: {  	_ =	task.clear_ibuf [dreg:s9], $0x2FFFF;
	_ =	strace $0x9FFFFFFF  }
0xc5: {  	(tm) =	ssettm $0x7FFFFFFF  }
tec
execute0_lowered:
.L_overlay_start_1:
0x0: {  	(tag) =	ssettag $0x1  }
0x1: {  	s1 =	rddreg [dreg:$0x0]  }
0x2: {  	s2 =	srdreg.scid;
	s3 =	rddreg [dreg:$0x1]  }
0x3: {  	s0 =	stileid.u32;
	s4 =	rddreg [dreg:$0x2];
	s11 =	simm.s32 $0x5  }
0x4: {  	s12 =	simm.s32 $0x80;
	s13 =	simm.s32 $0x400;
	s14 =	simm.s32 $0x4000  }
0x5: {  	s15 =	simm.s32 $0x1;
	s16 =	simm.s32 $0x8000;
	s17 =	simm.s32 $0x2  }
0x6: {  	s18 =	simm.s32 $0xC000;
	s19 =	simm.s32 $0x3;
	s20 =	simm.s32 $0x4  }
0x7: {  	s21 =	simm.s32 $0x0;
	s5 =	sand.u32 $0x1, s2;
	s6 =	sshll.u32 s0, $0x8  }
.Ltmp0:
0x8: {  	v8 =	vlaneseq.u32;
	s2 =	rddreg [dreg:$0x3];
	s7 =	sshll.u32 s5, $0x7;
	(pc) =	sbr.rel .LBB2_1-.Ltmp0, $4  }
0x9: {  	v5 =	vmul.u32 $0xFFFFFFFF, v8;
	s8 =	ssub.s32 $0x2, s5;
	s5 =	sor.u32 s7, s6;
	s6 =	simm.s32 $0x0  }
0xa: {  	v0 =	vadd.s32 $0x2, v8;
	v1 =	vadd.s32 $0x12, v8;
	v2 =	vadd.s32 $0x22, v8;
	s31 =	sshrl.u32 s8, $0x1;
	s9 =	sshll.u32 s5, $0xB;
	[smem:$0x7FF] =	sst s6  }
0xb: {  	v3 =	vadd.s32 $0x32, v8;
	v4 =	vadd.s32 $0x3FF2, v8;
	v6 =	vadd.s32 $0x3FC2, v8;
	s10 =	ssub.s32 s8, s31;
	s7 =	sadd.s32 s1, s9;
	_ =	strace $0x80000047  }
0xc: {  	v7 =	vadd.s32 $0x3FD2, v8;
	v8 =	vadd.s32 $0x3FE2, v8;
	v5 =	vadd.s32 $0x400C, v5;
	s9 =	smax.u32 s10, $0x1;
	s10 =	simm.s32 $0x10000;
	s8 =	sadd.s32 $0x10, s7  }
.LBB2_8:
0xd: {  	s21 =	sadd.s32 $0x1, s21  }
0xe: {  	_ =	swait.ge [sflag:s19], $0x4000;
	p0 =	sne.s32 s21, s9  }
.Ltmp1:
0xf: {  	[sflag:s19] =	ssyncset.done $0x0;
	(pc) =	sbr.rel @!p0 .LBB2_9-.Ltmp1, $4  }
0x10: {  	[sflag:s19] =	ssyncadd.s32 $0xFFFFC000  }
0x11: {  	_ =	swait.ge [sflag:s20], $0x4000  }
0x12: {  	[sflag:s20] =	ssyncset.done $0x0  }
0x13: {  	[sflag:s20] =	ssyncadd.s32 $0xFFFFC000  }
.LBB2_1:
0x14: {  	[tilespmem:s10], [sflag:$0x5] =	stream.linear.gather [hbm4b:s3+s6], $0x80, $0x38;
	[tilespmem:$0x10080] =	vst v63  }
0x15: {  	_ =	swait.ge [sflag:s11], $0x80  }
0x16: {  	[sflag:s11] =	ssyncset.done $0x0  }
0x17: {  	[sflag:s11] =	ssyncadd.s32 $0xFFFFFF80  }
0x18: {  	[tilespmem:s6], [sflag:$0x1] =	stream.strided.gather [hbm4b:s7+s12], $0x4000, s13, s12, $0x38;
	[tilespmem:$0x10080] =	vst v63  }
0x19: {  	s22 =	simm.s32 $0x0  }
0x1a: {  	[tilespmem:s14], [sflag:$0x2] =	stream.strided.gather [hbm4b:s8+s12], $0x4000, s13, s12, $0x38;
	[tilespmem:$0x10080] =	vst v63  }
.LBB2_2:
0x1b: {  	s23 =	sshll.u32 s22, $0x1  }
0x1c: {  	s25 =	sand.u32 $0x1F, s22;
	s24 =	sor.u32 s5, s23  }
0x1d: {  	p1 =	sne.s32 s25, $0x0;
	p0 =	seq.s32 s24, $0x0  }
0x1e: {  	p0 =	por !p1, !p0  }
0x1f: {  	s25 =	simm.s32 $0x1;
	p0 =	por !p0, !p0  }
0x20: {  	s26 =	sshrl.u32 s24, $0x6;
	s25 =	simm.s32 @!p0 $0x0  }
0x21: {  	_ =	swait.ge [sflag:s15], $0x4000;
	s25 =	ssub.s32 s26, s25  }
0x22: {  	[sflag:s15] =	ssyncset.done $0x0;
	p0 =	seq.s32 s22, $0x0;
	v9 =	vmov s25  }
0x23: {  	[sflag:s15] =	ssyncadd.s32 $0xFFFFC000;
	s26 =	simm.s32 @!p0 $0x3  }
0x24: {  	_ =	swait.ge @!p0 [sflag:s26], $0x4000  }
0x25: {  	[sflag:s26] =	ssyncset.done @!p0 $0x0  }
0x26: {  	[sflag:s26] =	ssyncadd.s32 @!p0 $0xFFFFC000  }
0x27: {  	v9 =	vld.idx.msk [tilespmem:v9+s10+$0x0], $0xffff;
	_ =	sdelay $0x4  }
0x28: {  	v12 =	vsub.s32 v1, v9  }
0x29: {  	v10 =	vsub.s32 v0, v9;
	v13 =	vsub.s32 v2, v9  }
0x2a: {  	v14 =	vsub.s32 v3, v9;
	v11 =	vsub.s32 $0x0, v10  }
0x2b: {  	v11 =	vmin.u32 v10, v11;
	_ =	sdelay $0x1  }
0x2c: {  	v12 =	vld.idx.msk [tilespmem:v12+s6+$0x0], $0xffff  }
0x2d: {  	v13 =	vld.idx.msk [tilespmem:v13+s6+$0x0], $0xffff  }
0x2e: {  	v14 =	vld.idx.msk [tilespmem:v14+s6+$0x0], $0xffff  }
0x2f: {  	s30 =	simm.s32 $0x40;
	v11 =	vld.idx.msk [tilespmem:v11+s6+$0x0], $0xffff  }
0x30: {  	v15 =	vadd.s32 s30, v10  }
0x31: {  	v16 =	vadd.s32 $0x70, v15;
	[tilespmem:$0x8010] =	vst v12  }
0x32: {  	v17 =	vadd.s32 $0x40, v15;
	[tilespmem:$0x8020] =	vst v13  }
0x33: {  	v12 =	vadd.s32 $0x10, v15;
	[tilespmem:$0x8030] =	vst v14  }
0x34: {  	v13 =	vadd.s32 $0x20, v15;
	[tilespmem:$0x8000] =	vst v11  }
0x35: {  	v14 =	vadd.s32 $0x30, v15;
	v11 =	vld.idx.msk [tilespmem:v15+s6+$0x0], $0xffff  }
0x36: {  	v18 =	vadd.s32 $0x50, v15;
	v16 =	vld.idx.msk [tilespmem:v16+s6+$0x0], $0xffff  }
0x37: {  	v19 =	vadd.s32 $0x60, v15;
	v15 =	vld.idx.msk [tilespmem:v17+s6+$0x0], $0xffff  }
0x38: {  	v12 =	vld.idx.msk [tilespmem:v12+s6+$0x0], $0xffff  }
0x39: {  	v20 =	vld.idx.msk [tilespmem:v13+s6+$0x0], $0xffff  }
0x3a: {  	v21 =	vld.idx.msk [tilespmem:v14+s6+$0x0], $0xffff  }
0x3b: {  	s26 =	simm.s32 $0x8060;
	v13 =	vld.idx.msk [tilespmem:v18+s6+$0x0], $0xffff  }
0x3c: {  	s28 =	sshll.u32 s22, $0xF;
	v14 =	vld.idx.msk [tilespmem:v19+s6+$0x0], $0xffff;
	[tilespmem:s26+$0x50] =	vst v16  }
0x3d: {  	s29 =	sshll.u32 s22, $0x8;
	s28 =	sand.u32 $0xE0000, s28;
	s25 =	sshll.u32 s25, $0x14;
	[tilespmem:s26+$0xFFFFFFF0] =	vst v12  }
0x3e: {  	s31 =	simm.s32 $0xC0;
	s25 =	sor.u32 s28, s25;
	s28 =	sand.u32 $0x300, s29;
	[tilespmem:s26+$0x0] =	vst v20  }
0x3f: {  	s25 =	sor.u32 s28, s25;
	s28 =	simm.s32 $0x140;
	v12 =	vadd.s32 s31, v10;
	[tilespmem:s26+$0x10] =	vst v21  }
.LBB2_3:
0x40: {  	p1 =	sne.s32 s28, $0x3F40;
	v16 =	vadd.s32 $0x70, v12;
	[tilespmem:s26+$0x20] =	vst v15  }
0x41: {  	v15 =	vadd.s32 $0x10, v12;
	[tilespmem:s26+$0x30] =	vst v13  }
0x42: {  	v13 =	vadd.s32 $0x20, v12;
	[tilespmem:s26+$0x40] =	vst v14  }
0x43: {  	v14 =	vadd.s32 $0x30, v12;
	[tilespmem:s26+$0xFFFFFFE0] =	vst v11  }
0x44: {  	v17 =	vadd.s32 $0x40, v12;
	v11 =	vld.idx.msk [tilespmem:v12+s6+$0x0], $0xffff  }
0x45: {  	v18 =	vadd.s32 $0x50, v12;
	v16 =	vld.idx.msk [tilespmem:v16+s6+$0x0], $0xffff  }
0x46: {  	v12 =	vadd.s32 $0x60, v12;
	v19 =	vld.idx.msk [tilespmem:v15+s6+$0x0], $0xffff  }
0x47: {  	v20 =	vld.idx.msk [tilespmem:v13+s6+$0x0], $0xffff  }
0x48: {  	v21 =	vld.idx.msk [tilespmem:v14+s6+$0x0], $0xffff  }
0x49: {  	v15 =	vld.idx.msk [tilespmem:v17+s6+$0x0], $0xffff  }
.Ltmp2:
0x4a: {  	s26 =	sadd.s32 $0x80, s26;
	v13 =	vld.idx.msk [tilespmem:v18+s6+$0x0], $0xffff;
	(pc) =	sbr.rel @p1 .LBB2_3-.Ltmp2, $4  }
0x4b: {  	v14 =	vld.idx.msk [tilespmem:v12+s6+$0x0], $0xffff;
	[tilespmem:s26+$0x50] =	vst v16  }
0x4c: {  	[tilespmem:s26+$0xFFFFFFF0] =	vst v19  }
0x4d: {  	[tilespmem:s26+$0x0] =	vst v20  }
0x4e: {  	v12 =	vadd.s32 s28, v10;
	s28 =	sadd.s32 $0x80, s28;
	[tilespmem:s26+$0x10] =	vst v21  }
0x4f: {  	v10 =	vadd.s32 $0x70, v12;
	[tilespmem:s26+$0x20] =	vst v15  }
0x50: {  	v15 =	vadd.s32 $0x10, v12;
	[tilespmem:s26+$0x30] =	vst v13  }
0x51: {  	v13 =	vadd.s32 $0x20, v12;
	[tilespmem:s26+$0xFFFFFFE0] =	vst v11  }
0x52: {  	v16 =	vadd.s32 $0x40, v12;
	[tilespmem:s26+$0x40] =	vst v14  }
0x53: {  	v17 =	vadd.s32 $0x50, v12;
	v11 =	vld.idx.msk [tilespmem:v12+s6+$0x0], $0xffff  }
0x54: {  	v14 =	vadd.s32 $0x30, v12;
	v10 =	vld.idx.msk [tilespmem:v10+s6+$0x0], $0xffff  }
0x55: {  	v12 =	vadd.s32 $0x60, v12;
	v15 =	vld.idx.msk [tilespmem:v15+s6+$0x0], $0xffff  }
0x56: {  	v13 =	vld.idx.msk [tilespmem:v13+s6+$0x0], $0xffff  }
0x57: {  	v16 =	vld.idx.msk [tilespmem:v16+s6+$0x0], $0xffff  }
0x58: {  	v17 =	vld.idx.msk [tilespmem:v17+s6+$0x0], $0xffff  }
0x59: {  	s30 =	sadd.s32 $0x80, s26;
	v14 =	vld.idx.msk [tilespmem:v14+s6+$0x0], $0xffff  }
0x5a: {  	v12 =	vld.idx.msk [tilespmem:v12+s6+$0x0], $0xffff;
	[tilespmem:s30+$0xFFFFFFE0] =	vst v11  }
0x5b: {  	[tilespmem:s30+$0x50] =	vst v10  }
0x5c: {  	[tilespmem:s30+$0xFFFFFFF0] =	vst v15  }
0x5d: {  	[tilespmem:s30+$0x0] =	vst v13;
	v10 =	vsub.s32 v6, v9  }
0x5e: {  	v13 =	vsub.s32 v4, v9;
	[tilespmem:s30+$0x10] =	vst v14;
	v14 =	vsub.s32 v7, v9  }
0x5f: {  	[tilespmem:s30+$0x20] =	vst v16;
	v15 =	vadd.s32 v5, v9;
	vm0 =	vgt.s32 v13, $0x3FFF;
	v9 =	vsub.s32 v8, v9  }
0x60: {  	[tilespmem:s30+$0x40] =	vst v12;
	v12 =	vsel vm0, v15, v13  }
0x61: {  	[tilespmem:s30+$0x30] =	vst v17  }
0x62: {  	v10 =	vld.idx.msk [tilespmem:v10+s6+$0x0], $0xffff  }
0x63: {  	v11 =	vld.idx.msk [tilespmem:v14+s6+$0x0], $0xffff  }
0x64: {  	v9 =	vld.idx.msk [tilespmem:v9+s6+$0x0], $0xffff  }
0x65: {  	v12 =	vld.idx.msk [tilespmem:v12+s6+$0x0], $0xffff;
	_ =	sdelay $0x1  }
0x66: {  	[tilespmem:$0xBFC0] =	vst v10  }
0x67: {  	[tilespmem:$0xBFD0] =	vst v11  }
0x68: {  	s25 =	sshrl.u32 s25, $0x3;
	p1 =	seq.s32 s22, $0x3F;
	[tilespmem:$0xBFE0] =	vst v9  }
0x69: {  	s25 =	sadd.s32 s4, s25;
	s24 =	sadd.s32 @!p1 $0x2, s24;
	[tilespmem:$0xBFF0] =	vst v12  }
0x6a: {  	[hbm4b:s25+s12] =	stream.strided.scatter [tilespmem:s16], [sflag:$0x3], $0x4000, s13, s12, $0x38;
	[tilespmem:$0x10080] =	vst v63  }
0x6b: {  	s25 =	sshll.u32 @!p1 s24, $0x4  }
0x6c: {  	s24 =	sshll.u32 @!p1 s24, $0xB;
	s25 =	sand.u32 @!p1 $0x60, s25  }
0x6d: {  	s26 =	simm.s32 @!p1 $0x400;
	s24 =	sand.u32 @!p1 $0xFFFC000, s24;
	s25 =	sadd.s32 @!p1 s1, s25  }
0x6e: {  	s28 =	simm.s32 @!p1 $0x0;
	s24 =	sadd.s32 @!p1 s24, s25;
	s25 =	simm.s32 @!p1 $0x80  }
0x6f: {  	[tilespmem:s28], [sflag:$0x1] =	stream.strided.gather @!p1 [hbm4b:s24+s25], $0x4000, s26, s25, $0x38;
	[tilespmem:$0x10080] =	vst v63  }
0x70: {  	s25 =	sor.u32 $0x1, s23  }
0x71: {  	s23 =	sor.u32 s5, s25  }
0x72: {  	_ =	swait.ge [sflag:s17], $0x4000;
	s31 =	sshrl.u32 s23, $0x6  }
0x73: {  	[sflag:s17] =	ssyncset.done $0x0;
	v9 =	vmov s31  }
0x74: {  	s26 =	simm.s32 @!p0 $0x4;
	[sflag:s17] =	ssyncadd.s32 $0xFFFFC000  }
0x75: {  	_ =	swait.ge @!p0 [sflag:s26], $0x4000  }
0x76: {  	[sflag:s26] =	ssyncset.done @!p0 $0x0  }
0x77: {  	[sflag:s26] =	ssyncadd.s32 @!p0 $0xFFFFC000  }
0x78: {  	v9 =	vld.idx.msk [tilespmem:v9+s10+$0x0], $0xffff;
	_ =	sdelay $0x4  }
0x79: {  	v12 =	vsub.s32 v1, v9  }
0x7a: {  	v10 =	vsub.s32 v0, v9;
	v13 =	vsub.s32 v2, v9  }
0x7b: {  	v14 =	vsub.s32 v3, v9;
	v11 =	vsub.s32 $0x0, v10  }
0x7c: {  	v11 =	vmin.u32 v10, v11;
	_ =	sdelay $0x1  }
0x7d: {  	v12 =	vld.idx.msk [tilespmem:v12+s14+$0x0], $0xffff  }
0x7e: {  	v13 =	vld.idx.msk [tilespmem:v13+s14+$0x0], $0xffff  }
0x7f: {  	v14 =	vld.idx.msk [tilespmem:v14+s14+$0x0], $0xffff  }
0x80: {  	s30 =	simm.s32 $0x40;
	v11 =	vld.idx.msk [tilespmem:v11+s14+$0x0], $0xffff  }
0x81: {  	v15 =	vadd.s32 s30, v10  }
0x82: {  	v16 =	vadd.s32 $0x70, v15;
	[tilespmem:$0xC010] =	vst v12  }
0x83: {  	v17 =	vadd.s32 $0x40, v15;
	[tilespmem:$0xC020] =	vst v13  }
0x84: {  	v12 =	vadd.s32 $0x10, v15;
	[tilespmem:$0xC030] =	vst v14  }
0x85: {  	v13 =	vadd.s32 $0x20, v15;
	[tilespmem:$0xC000] =	vst v11  }
0x86: {  	v14 =	vadd.s32 $0x30, v15;
	v11 =	vld.idx.msk [tilespmem:v15+s14+$0x0], $0xffff  }
0x87: {  	v18 =	vadd.s32 $0x50, v15;
	v16 =	vld.idx.msk [tilespmem:v16+s14+$0x0], $0xffff  }
0x88: {  	v19 =	vadd.s32 $0x60, v15;
	v15 =	vld.idx.msk [tilespmem:v17+s14+$0x0], $0xffff  }
0x89: {  	v12 =	vld.idx.msk [tilespmem:v12+s14+$0x0], $0xffff  }
0x8a: {  	v20 =	vld.idx.msk [tilespmem:v13+s14+$0x0], $0xffff  }
0x8b: {  	v21 =	vld.idx.msk [tilespmem:v14+s14+$0x0], $0xffff  }
0x8c: {  	s28 =	simm.s32 $0xC060;
	v13 =	vld.idx.msk [tilespmem:v18+s14+$0x0], $0xffff  }
0x8d: {  	v14 =	vld.idx.msk [tilespmem:v19+s14+$0x0], $0xffff;
	[tilespmem:s28+$0x50] =	vst v16  }
0x8e: {  	s29 =	simm.s32 $0xC0;
	[tilespmem:s28+$0xFFFFFFF0] =	vst v12  }
0x8f: {  	s25 =	sshll.u32 s25, $0x4;
	s24 =	sshll.u32 s31, $0x11;
	s31 =	sshll.u32 s22, $0xC;
	[tilespmem:s28+$0x0] =	vst v20  }
0x90: {  	s25 =	sand.u32 $0x70, s25;
	s26 =	sand.u32 $0x1C000, s31;
	v12 =	vadd.s32 s29, v10;
	s29 =	simm.s32 $0x140;
	[tilespmem:s28+$0x10] =	vst v21  }
.LBB2_5:
0x91: {  	p0 =	sne.s32 s29, $0x3F40;
	v16 =	vadd.s32 $0x70, v12;
	[tilespmem:s28+$0x20] =	vst v15  }
0x92: {  	v15 =	vadd.s32 $0x10, v12;
	[tilespmem:s28+$0x30] =	vst v13  }
0x93: {  	v13 =	vadd.s32 $0x20, v12;
	[tilespmem:s28+$0x40] =	vst v14  }
0x94: {  	v14 =	vadd.s32 $0x30, v12;
	[tilespmem:s28+$0xFFFFFFE0] =	vst v11  }
0x95: {  	v17 =	vadd.s32 $0x40, v12;
	v11 =	vld.idx.msk [tilespmem:v12+s14+$0x0], $0xffff  }
0x96: {  	v18 =	vadd.s32 $0x50, v12;
	v16 =	vld.idx.msk [tilespmem:v16+s14+$0x0], $0xffff  }
0x97: {  	v12 =	vadd.s32 $0x60, v12;
	v19 =	vld.idx.msk [tilespmem:v15+s14+$0x0], $0xffff  }
0x98: {  	v20 =	vld.idx.msk [tilespmem:v13+s14+$0x0], $0xffff  }
0x99: {  	v21 =	vld.idx.msk [tilespmem:v14+s14+$0x0], $0xffff  }
0x9a: {  	v15 =	vld.idx.msk [tilespmem:v17+s14+$0x0], $0xffff  }
.Ltmp3:
0x9b: {  	s28 =	sadd.s32 $0x80, s28;
	v13 =	vld.idx.msk [tilespmem:v18+s14+$0x0], $0xffff;
	(pc) =	sbr.rel @p0 .LBB2_5-.Ltmp3, $4  }
0x9c: {  	v14 =	vld.idx.msk [tilespmem:v12+s14+$0x0], $0xffff;
	[tilespmem:s28+$0x50] =	vst v16  }
0x9d: {  	[tilespmem:s28+$0xFFFFFFF0] =	vst v19  }
0x9e: {  	[tilespmem:s28+$0x0] =	vst v20  }
0x9f: {  	v12 =	vadd.s32 s29, v10;
	s29 =	sadd.s32 $0x80, s29;
	[tilespmem:s28+$0x10] =	vst v21  }
0xa0: {  	v10 =	vadd.s32 $0x70, v12;
	[tilespmem:s28+$0x20] =	vst v15  }
0xa1: {  	v56 =	vadd.s32 $0x10, v12;
	[tilespmem:s28+$0x30] =	vst v13  }
0xa2: {  	v57 =	vadd.s32 $0x20, v12;
	[tilespmem:s28+$0xFFFFFFE0] =	vst v11  }
0xa3: {  	v58 =	vadd.s32 $0x30, v12;
	[tilespmem:s28+$0x40] =	vst v14  }
0xa4: {  	v16 =	vadd.s32 $0x40, v12;
	v11 =	vld.idx.msk [tilespmem:v12+s14+$0x0], $0xffff  }
0xa5: {  	v17 =	vadd.s32 $0x50, v12;
	v10 =	vld.idx.msk [tilespmem:v10+s14+$0x0], $0xffff  }
0xa6: {  	v59 =	vadd.s32 $0x60, v12;
	v15 =	vld.idx.msk [tilespmem:v56+s14+$0x0], $0xffff  }
0xa7: {  	v13 =	vld.idx.msk [tilespmem:v57+s14+$0x0], $0xffff  }
0xa8: {  	v14 =	vld.idx.msk [tilespmem:v58+s14+$0x0], $0xffff  }
0xa9: {  	v16 =	vld.idx.msk [tilespmem:v16+s14+$0x0], $0xffff  }
0xaa: {  	s31 =	sadd.s32 $0x80, s28;
	v17 =	vld.idx.msk [tilespmem:v17+s14+$0x0], $0xffff  }
0xab: {  	v12 =	vld.idx.msk [tilespmem:v59+s14+$0x0], $0xffff;
	[tilespmem:s31+$0xFFFFFFE0] =	vst v11  }
0xac: {  	[tilespmem:s31+$0x50] =	vst v10  }
0xad: {  	v60 =	vsub.s32 v4, v9;
	[tilespmem:s31+$0xFFFFFFF0] =	vst v15  }
0xae: {  	v61 =	vsub.s32 v7, v9;
	v62 =	vadd.s32 v5, v9;
	vm0 =	vgt.s32 v60, $0x3FFF;
	[tilespmem:s31+$0x0] =	vst v13  }
0xaf: {  	v63 =	vsel vm0, v62, v60;
	[tilespmem:s31+$0x10] =	vst v14  }
0xb0: {  	v10 =	vsub.s32 v6, v9;
	[tilespmem:s31+$0x20] =	vst v16  }
0xb1: {  	[tilespmem:s31+$0x30] =	vst v17;
	v9 =	vsub.s32 v8, v9  }
0xb2: {  	[tilespmem:s31+$0x40] =	vst v12  }
0xb3: {  	v11 =	vld.idx.msk [tilespmem:v61+s14+$0x0], $0xffff  }
0xb4: {  	v12 =	vld.idx.msk [tilespmem:v63+s14+$0x0], $0xffff  }
0xb5: {  	v10 =	vld.idx.msk [tilespmem:v10+s14+$0x0], $0xffff  }
0xb6: {  	v9 =	vld.idx.msk [tilespmem:v9+s14+$0x0], $0xffff;
	_ =	sdelay $0x1  }
.Ltmp4:
0xb7: {  	[tilespmem:$0xFFD0] =	vst v11;
	(pc) =	sbr.rel @p1 .LBB2_8-.Ltmp4, $4  }
0xb8: {  	s26 =	sadd.s32 s4, s26;
	[tilespmem:$0xFFF0] =	vst v12  }
0xb9: {  	s25 =	sadd.s32 s25, s26;
	[tilespmem:$0xFFC0] =	vst v10  }
0xba: {  	s24 =	sadd.s32 s24, s25;
	[tilespmem:$0xFFE0] =	vst v9  }
0xbb: {  	[hbm4b:s24+s12] =	stream.strided.scatter [tilespmem:s18], [sflag:$0x4], $0x4000, s13, s12, $0x38;
	[tilespmem:$0x10080] =	vst v63  }
0xbc: {  	s23 =	sadd.s32 $0x2, s23  }
.Ltmp5:
0xbd: {  	s24 =	sshll.u32 s23, $0x4;
	(pc) =	sbr.rel .LBB2_2-.Ltmp5, $4  }
0xbe: {  	s23 =	sshll.u32 s23, $0xB;
	s24 =	sand.u32 $0x70, s24  }
0xbf: {  	s23 =	sand.u32 $0xFFFC000, s23;
	s24 =	sadd.s32 s1, s24  }
0xc0: {  	s22 =	sadd.s32 $0x1, s22;
	s23 =	sadd.s32 s23, s24  }
0xc1: {  	[tilespmem:s14], [sflag:$0x2] =	stream.strided.gather [hbm4b:s23+s12], $0x4000, s13, s12, $0x38;
	[tilespmem:$0x10080] =	vst v63  }
.LBB2_9:
0xc2: {  	_ =	sfence.sel $0x180000  }
0xc3: {  	[bflag:$0x0] =	sbarrier.arrive $0xFFFF  }
0xc4: {  	p0 =	sne.s32 s0, $0x0;
	_ =	strace $0x90000047  }
0xc5: {  	s0 =	sadd.s32 @!p0 $0x100000, s2;
	[bflag:$0x2] =	sbarrier.arrive $0xFFFF  }
0xc6: {  	[sflag:s0] =	ssyncadd.tile.s32 @!p0 $0x1;
	_ =	shalt  }
.Lfunc_end2:
_tile_overlayer_lowered:
.L_overlay_start_2:
0xc7: {  	(tag) =	ssettag $0x2  }
0xc8: {  	s0 =	rddreg [dreg:$0x0];
	s2 =	stileid.u32  }
0xc9: {  	s1 =	rddreg [dreg:$0x1];
	p0 =	sne.s32 s2, $0x0  }
0xca: {  	s3 =	rddreg [dreg:$0x2];
	[bflag:$0x3] =	sbarrier.arrive $0xFFFF;
	s2 =	simm.s32 @!p0 $0x1C05  }
0xcb: {  	[timem:s3], [sflag:s2] =	dma.local @!p0 [hbm:s0], s1  }
0xcc: {  	s0 =	simm.s32 @!p0 $0x5  }
0xcd: {  	_ =	swait.ge @!p0 [sflag:s0], s1  }
0xce: {  	s1 =	ssub.s32 @!p0 $0x0, s1;
	[sflag:s0] =	ssyncset.done @!p0 $0x0  }
0xcf: {  	[sflag:s0] =	ssyncadd.s32 @!p0 s1  }
0xd0: {  	[bflag:$0x3] =	sbarrier.arrive $0xFFFF  }
0xd1: {  	_ =	shalt  }

</sc_bundles>
